<compile_context>
chip_gen: v7x
topology: tpu7x:2x2x1
jax: 0.10.2.dev20260603
libtpu: 0.0.44.dev20260713+nightly
codegen_flags: <defaults>
</compile_context>

<pallas_src>
import functools

import jax
import jax.numpy as jnp
from jax import lax
from jax.experimental import pallas as pl
from jax.experimental.pallas import tpu as pltpu
from jax.experimental.pallas import tpu_sc as plsc

N = 100000
D = 128
E = 200000
T = 7

R = 2000
RP = 2048
P = 25
G = 64
PAD = R
DW = 16

EP = 200704
SL = 12544
CH = 1792
MF = 12672


def _tc_transform(x, Ws):
    BN = 400

    def body(x_ref, w_ref, o_ref):
        o_ref[0] = jnp.dot(x_ref[...], w_ref[0],
                           preferred_element_type=jnp.float32)

    return pl.pallas_call(
        body,
        grid=(N // BN, T),
        in_specs=[
            pl.BlockSpec((BN, D), lambda i, t: (i, 0)),
            pl.BlockSpec((1, D, D), lambda i, t: (t, 0, 0)),
        ],
        out_specs=pl.BlockSpec((1, BN, D), lambda i, t: (t, i, 0)),
        out_shape=jax.ShapeDtypeStruct((T, N, D), jnp.float32),
    )(x, Ws)


def _sc_body(y_hbm, src_hbm, dst_hbm, bbar_hbm, out_hbm,
             src_buf, dst_buf, msrc_f, moff_f, moff_blk, rows_buf, ones_buf,
             inv_buf, pfx_buf, scale_buf, zbuf, zdeg, dstage, bbar_buf,
             wout_buf, acc_sp, deg_sp, sem, sem2):
    cid = lax.axis_index("c")
    sid = lax.axis_index("s")

    z16f = jnp.zeros((16,), jnp.float32)
    z16i = jnp.zeros((16,), jnp.int32)
    one16 = jnp.ones((16,), jnp.float32)
    pad16 = jnp.full((16,), PAD, jnp.int32)
    lanes = lax.iota(jnp.int32, 16)

    def _init_zb(r, _):
        for k in range(8):
            zbuf[r, pl.ds(16 * k, 16)] = z16f
        return 0
    lax.fori_loop(0, 16, _init_zb, 0)

    def _init_zd(r, _):
        zdeg[r, pl.ds(0, 16)] = z16f
        return 0
    lax.fori_loop(0, 128, _init_zd, 0)

    def _init_ms(i, _):
        msrc_f[pl.ds(16 * i, 16)] = z16i
        return 0
    lax.fori_loop(0, MF // 16, _init_ms, 0)

    def _init_on(r, _):
        ones_buf[r, pl.ds(0, 16)] = one16
        return 0
    lax.fori_loop(0, G, _init_on, 0)

    pltpu.sync_copy(bbar_hbm, bbar_buf)

    pltpu.sync_copy(zdeg, deg_sp.at[pl.ds(sid * 128, 128)])
    plsc.subcore_barrier()

    def scan_chunk(t, ebase, cnt0, base_node):
        c1 = pltpu.async_copy(src_hbm.at[t].at[pl.ds(ebase, CH)], src_buf,
                              sem)
        c2 = pltpu.async_copy(dst_hbm.at[t].at[pl.ds(ebase, CH)], dst_buf,
                              sem2)
        c1.wait()
        c2.wait()

        def grp(g, cnt):
            sv = src_buf[pl.ds(16 * g, 16)]
            dv = dst_buf[pl.ds(16 * g, 16)]
            off = dv - base_node
            m = (off >= 0) & (off < R)
            v = m.astype(jnp.int32)
            mi = v
            for k in (1, 2, 4, 8):
                pfx_buf[...] = v
                sh = plsc.load_gather(pfx_buf, [jnp.maximum(lanes - k, 0)])
                v = v + jnp.where(lanes >= k, sh, 0)
            pos = jnp.where(m, cnt + v - mi, (MF - 16) + lanes)
            plsc.store_scatter(msrc_f, [pos], sv)
            plsc.store_scatter(moff_f, [pos], off)
            return cnt + v[15]

        return lax.fori_loop(0, CH // 16, grp, cnt0)

    def type_body(t, p_base):
        base_node = p_base

        ebase = sid * SL

        def sc(c, cnt):
            return scan_chunk(t, ebase + c * CH, cnt, base_node)
        cnt = lax.fori_loop(0, SL // CH, sc, 0)

        for k in range(G // 16):
            plsc.store_scatter(moff_f, [cnt + 16 * k + lanes], pad16)

        nblk = (cnt + (G - 1)) >> 6

        def dblk(b, _):
            def cp(k, _):
                moff_blk[pl.ds(16 * k, 16)] = moff_f[pl.ds(b * G + 16 * k, 16)]
                return 0
            lax.fori_loop(0, G // 16, cp, 0)
            pltpu.sync_copy(ones_buf, deg_sp.at[moff_blk], add=True)
            return 0
        lax.fori_loop(0, nblk, dblk, 0)

        plsc.subcore_barrier()

        def ic(c, _):
            pltpu.sync_copy(deg_sp.at[pl.ds(c * 128, 128)], dstage)

            def iv(i, _):
                dv = plsc.load_gather(dstage, [16 * i + lanes, z16i])
                inv_buf[pl.ds(c * 128 + 16 * i, 16)] = (
                    (1.0 / T) / jnp.maximum(dv, 1.0))
                return 0
            lax.fori_loop(0, 8, iv, 0)
            return 0
        lax.fori_loop(0, RP // 128, ic, 0)

        plsc.subcore_barrier()

        pltpu.sync_copy(zdeg, deg_sp.at[pl.ds(sid * 128, 128)])

        def ablk(b, _):
            def cp(k, _):
                moff_blk[pl.ds(16 * k, 16)] = moff_f[pl.ds(b * G + 16 * k, 16)]
                return 0
            lax.fori_loop(0, G // 16, cp, 0)
            pltpu.async_copy(y_hbm.at[t].at[msrc_f.at[pl.ds(b * G, G)]],
                             rows_buf, sem).wait()

            def sj(j, _):
                ivv = plsc.load_gather(inv_buf, [moff_blk[pl.ds(16 * j, 16)]])
                scale_buf[...] = ivv

                def se(e, _):
                    sp = plsc.load_gather(scale_buf,
                                          [jnp.full((16,), e, jnp.int32)])
                    r = 16 * j + e
                    for k in range(8):
                        rows_buf[r, pl.ds(16 * k, 16)] = (
                            rows_buf[r, pl.ds(16 * k, 16)] * sp)
                    return 0
                lax.fori_loop(0, 16, se, 0)
                return 0
            lax.fori_loop(0, G // 16, sj, 0)

            pltpu.sync_copy(rows_buf, acc_sp.at[moff_blk], add=True)
            return 0
        lax.fori_loop(0, nblk, ablk, 0)

        plsc.subcore_barrier()
        return p_base

    def pass_body(p, _):
        base_node = cid * (P * R) + p * R

        def zacc(kk, _):
            pltpu.sync_copy(zbuf, acc_sp.at[pl.ds(sid * 128 + kk * 16, 16)])
            return 0
        lax.fori_loop(0, 8, zacc, 0)

        plsc.subcore_barrier()

        lax.fori_loop(0, T, type_body, base_node)

        plsc.subcore_barrier()

        def wo(w, _):
            idx = sid + 16 * w

            @pl.when(idx < 125)
            def _():
                row0 = idx * 16
                pltpu.sync_copy(acc_sp.at[pl.ds(row0, 16)], wout_buf)

                def wr(r, _):
                    for k in range(8):
                        wout_buf[r, pl.ds(16 * k, 16)] = (
                            wout_buf[r, pl.ds(16 * k, 16)]
                            + bbar_buf[pl.ds(16 * k, 16)])
                    return 0
                lax.fori_loop(0, 16, wr, 0)
                pltpu.sync_copy(wout_buf,
                                out_hbm.at[pl.ds(base_node + row0, 16)])
            return 0
        lax.fori_loop(0, 8, wo, 0)

        plsc.subcore_barrier()
        return 0

    lax.fori_loop(0, P, pass_body, 0)


def _sc_aggregate(y, src_all, dst_all, bbar):
    mesh = plsc.VectorSubcoreMesh(core_axis_name="c", subcore_axis_name="s")
    kfn = pl.kernel(
        _sc_body,
        out_type=jax.ShapeDtypeStruct((N, D), jnp.float32),
        mesh=mesh,
        compiler_params=pltpu.CompilerParams(needs_layout_passes=False),
        scratch_types=[
            pltpu.VMEM((CH,), jnp.int32),
            pltpu.VMEM((CH,), jnp.int32),
            pltpu.VMEM((MF,), jnp.int32),
            pltpu.VMEM((MF,), jnp.int32),
            pltpu.VMEM((G,), jnp.int32),
            pltpu.VMEM((G, D), jnp.float32),
            pltpu.VMEM((G, DW), jnp.float32),
            pltpu.VMEM((RP,), jnp.float32),
            pltpu.VMEM((16,), jnp.int32),
            pltpu.VMEM((16,), jnp.float32),
            pltpu.VMEM((16, D), jnp.float32),
            pltpu.VMEM((128, DW), jnp.float32),
            pltpu.VMEM((128, DW), jnp.float32),
            pltpu.VMEM((D,), jnp.float32),
            pltpu.VMEM((16, D), jnp.float32),
            pltpu.VMEM_SHARED((RP, D), jnp.float32),
            pltpu.VMEM_SHARED((RP, DW), jnp.float32),
            pltpu.SemaphoreType.DMA,
            pltpu.SemaphoreType.DMA,
        ],
    )
    return kfn(y, src_all, dst_all, bbar)


def kernel(x,
           edge_index_candidate2candidate, W_candidate2candidate, b_candidate2candidate,
           edge_index_candidate2document, W_candidate2document, b_candidate2document,
           edge_index_candidate2entity, W_candidate2entity, b_candidate2entity,
           edge_index_codocument, W_codocument, b_codocument,
           edge_index_comention, W_comention, b_comention,
           edge_index_document2entity, W_document2entity, b_document2entity,
           edge_index_entity, W_entity, b_entity):
    edges = [edge_index_candidate2candidate, edge_index_candidate2document,
             edge_index_candidate2entity, edge_index_codocument,
             edge_index_comention, edge_index_document2entity,
             edge_index_entity]
    Ws = jnp.stack([W_candidate2candidate, W_candidate2document,
                    W_candidate2entity, W_codocument, W_comention,
                    W_document2entity, W_entity])
    bs = [b_candidate2candidate, b_candidate2document, b_candidate2entity,
          b_codocument, b_comention, b_document2entity, b_entity]

    bbar = sum(bs[1:], bs[0]) * (1.0 / T)
    src_all = jnp.stack([e[0] for e in edges])
    dst_all = jnp.stack([e[1] for e in edges])
    src_all = jnp.concatenate(
        [src_all, jnp.zeros((T, EP - E), jnp.int32)], axis=1)
    dst_all = jnp.concatenate(
        [dst_all, jnp.full((T, EP - E), -1, jnp.int32)], axis=1)

    y = _tc_transform(x, Ws)
    return _sc_aggregate(y, src_all, dst_all, bbar)

# --- scband reference (transcript-rebuilt; emitter-appended) ---
"""Pipeline reference for scband-switch-gnn-73315091743221 (READ-ONLY COPY).

The authoritative reference and input builder live on the scoring server;
editing this copy changes nothing except your own understanding.
"""

import jax, jax.numpy as jnp
import numpy as np

TYPES = ['candidate2candidate', 'candidate2document', 'candidate2entity', 'codocument', 'comention', 'document2entity', 'entity']
N = 100000
E = 200000
D = 128


def setup_inputs(seed: int = 0) -> dict:
    key = jax.random.key(seed)
    inp = {}
    inp['x'] = jax.random.normal(jax.random.fold_in(key, 0), (N, D), dtype=jnp.float32)
    for i, t in enumerate(TYPES):
        inp['edge_index_' + t] = jax.random.randint(jax.random.fold_in(key, 100 + i), (2, E), 0, N, dtype=jnp.int32)
        inp['W_' + t] = jax.random.normal(jax.random.fold_in(key, 200 + i), (D, D), dtype=jnp.float32) * 0.05
        inp['b_' + t] = jnp.zeros((D,), dtype=jnp.float32)
    return inp


def _conv(x, edge_index, W, b):
    # per-type GNN: mean-aggregate source messages into dst nodes, then linear
    src = edge_index[0]
    dst = edge_index[1]
    msg = jnp.take(x, src, axis=0)                                   # gather
    agg = jax.ops.segment_sum(msg, dst, num_segments=x.shape[0])     # scatter-add
    deg = jax.ops.segment_sum(jnp.ones((edge_index.shape[1],), dtype=x.dtype), dst, num_segments=x.shape[0])
    agg = agg / jnp.maximum(deg, 1.0)[:, None]
    return agg @ W + b


def reference(x,
              edge_index_candidate2candidate, W_candidate2candidate, b_candidate2candidate,
              edge_index_candidate2document, W_candidate2document, b_candidate2document,
              edge_index_candidate2entity, W_candidate2entity, b_candidate2entity,
              edge_index_codocument, W_codocument, b_codocument,
              edge_index_comention, W_comention, b_comention,
              edge_index_document2entity, W_document2entity, b_document2entity,
              edge_index_entity, W_entity, b_entity):
    inp = {
        'x': x,
        'edge_index_candidate2candidate': edge_index_candidate2candidate,
        'W_candidate2candidate': W_candidate2candidate,
        'b_candidate2candidate': b_candidate2candidate,
        'edge_index_candidate2document': edge_index_candidate2document,
        'W_candidate2document': W_candidate2document,
        'b_candidate2document': b_candidate2document,
        'edge_index_candidate2entity': edge_index_candidate2entity,
        'W_candidate2entity': W_candidate2entity,
        'b_candidate2entity': b_candidate2entity,
        'edge_index_codocument': edge_index_codocument,
        'W_codocument': W_codocument,
        'b_codocument': b_codocument,
        'edge_index_comention': edge_index_comention,
        'W_comention': W_comention,
        'b_comention': b_comention,
        'edge_index_document2entity': edge_index_document2entity,
        'W_document2entity': W_document2entity,
        'b_document2entity': b_document2entity,
        'edge_index_entity': edge_index_entity,
        'W_entity': W_entity,
        'b_entity': b_entity,
    }
    x = inp['x']
    type_messages = []
    for t in TYPES:  # sorted(graph.unique_edge_types)
        type_messages.append(_conv(x, inp['edge_index_' + t], inp['W_' + t], inp['b_' + t]))
    # include_global=False, so no extra global-edge message
    x_agg = sum(type_messages) / len(type_messages)
    return x_agg

if __name__ == "__main__":
    import jax
    _d = setup_inputs()
    print(jax.jit(kernel)(*tuple(_d.values())))

</pallas_src>

<mosaic_0001>
#map = affine_map<(d0, d1) -> (0, 0, 0)>
#map1 = affine_map<(d0, d1) -> (0, 0)>
#map2 = affine_map<(d0, d1) -> (0)>
module attributes {stable_mosaic.version = 14 : i64} {
  func.func @_sc_body(%arg0: i32, %arg1: i32, %arg2: memref<7x100000x128xf32, #tpu.memory_space<hbm>>, %arg3: memref<7x200704xi32, #tpu.memory_space<hbm>>, %arg4: memref<7x200704xi32, #tpu.memory_space<hbm>>, %arg5: memref<128xf32, #tpu.memory_space<hbm>>, %arg6: memref<100000x128xf32, #tpu.memory_space<hbm>>, %arg7: memref<1792xi32, #tpu.memory_space<vmem>>, %arg8: memref<1792xi32, #tpu.memory_space<vmem>>, %arg9: memref<12672xi32, #tpu.memory_space<vmem>>, %arg10: memref<12672xi32, #tpu.memory_space<vmem>>, %arg11: memref<64xi32, #tpu.memory_space<vmem>>, %arg12: memref<64x128xf32, #tpu.memory_space<vmem>>, %arg13: memref<64x16xf32, #tpu.memory_space<vmem>>, %arg14: memref<2048xf32, #tpu.memory_space<vmem>>, %arg15: memref<16xi32, #tpu.memory_space<vmem>>, %arg16: memref<16xf32, #tpu.memory_space<vmem>>, %arg17: memref<16x128xf32, #tpu.memory_space<vmem>>, %arg18: memref<128x16xf32, #tpu.memory_space<vmem>>, %arg19: memref<128x16xf32, #tpu.memory_space<vmem>>, %arg20: memref<128xf32, #tpu.memory_space<vmem>>, %arg21: memref<16x128xf32, #tpu.memory_space<vmem>>, %arg22: memref<2048x128xf32, #tpu.memory_space<vmem_shared>>, %arg23: memref<2048x16xf32, #tpu.memory_space<vmem_shared>>, %arg24: memref<!tpu.dma_semaphore, #tpu.memory_space<semaphore_mem>>, %arg25: memref<!tpu.dma_semaphore, #tpu.memory_space<semaphore_mem>>) attributes {dimension_semantics = [#tpu.dimension_semantics<core_parallel>, #tpu.dimension_semantics<subcore_parallel>], iteration_bounds = array<i64: 2, 16>, scalar_prefetch = 0 : i64, scratch_operands = 19 : i64, tpu.core_type = #tpu.core_type<sc_vector_subcore>, window_params = [{transform_indices = #map}, {transform_indices = #map1}, {transform_indices = #map1}, {transform_indices = #map2}, {transform_indices = #map1}]} {
    %broadcast_in_dim3A = arith.constant 0.000000e+00 : f32
    %broadcast_in_dim3A_0 = vector.broadcast %broadcast_in_dim3A : f32 to vector<16xf32>
    %broadcast_in_dim3A_1 = arith.constant 0 : i32
    %broadcast_in_dim3A_2 = vector.broadcast %broadcast_in_dim3A_1 : i32 to vector<16xi32>
    %broadcast_in_dim3A_3 = arith.constant 1.000000e+00 : f32
    %broadcast_in_dim3A_4 = vector.broadcast %broadcast_in_dim3A_3 : f32 to vector<16xf32>
    %broadcast_in_dim3A_5 = arith.constant 2000 : i32
    %broadcast_in_dim3A_6 = vector.broadcast %broadcast_in_dim3A_5 : i32 to vector<16xi32>
    %iota3A = tpu.iota {dimensions = array<i32: 0>} : vector<16xi32>
    %scan3A = arith.constant 0 : i32
    %scan3A_7 = arith.constant 0 : i32
    %scan3A_8 = arith.constant 16 : i32
    %scan3A_9 = arith.addi %scan3A_7, %scan3A_8 : i32
    %scan3A_10 = arith.constant 1 : i32
    %scan3A_11 = scf.for %scan3A_42 = %scan3A_7 to %scan3A_9 step %scan3A_10 iter_args(%scan3A_43 = %scan3A) -> (i32)  : i32 {
      %swap3A = arith.index_cast %scan3A_42 : i32 to index
      %swap3A_44 = arith.constant 0 : index
      %swap3A_45 = tpu.vector_load %arg17[%swap3A, %swap3A_44] {strides = array<i32>} : memref<16x128xf32, #tpu.memory_space<vmem>>, vector<16xf32>,
      tpu.vector_store %arg17[%swap3A, %swap3A_44], %broadcast_in_dim3A_0 {strides = array<i32>} : memref<16x128xf32, #tpu.memory_space<vmem>>, vector<16xf32>,
      %swap3A_46 = arith.index_cast %scan3A_42 : i32 to index
      %swap3A_47 = arith.constant 16 : index
      %swap3A_48 = tpu.vector_load %arg17[%swap3A_46, %swap3A_47] {strides = array<i32>} : memref<16x128xf32, #tpu.memory_space<vmem>>, vector<16xf32>,
      tpu.vector_store %arg17[%swap3A_46, %swap3A_47], %broadcast_in_dim3A_0 {strides = array<i32>} : memref<16x128xf32, #tpu.memory_space<vmem>>, vector<16xf32>,
      %swap3A_49 = arith.index_cast %scan3A_42 : i32 to index
      %swap3A_50 = arith.constant 32 : index
      %swap3A_51 = tpu.vector_load %arg17[%swap3A_49, %swap3A_50] {strides = array<i32>} : memref<16x128xf32, #tpu.memory_space<vmem>>, vector<16xf32>,
      tpu.vector_store %arg17[%swap3A_49, %swap3A_50], %broadcast_in_dim3A_0 {strides = array<i32>} : memref<16x128xf32, #tpu.memory_space<vmem>>, vector<16xf32>,
      %swap3A_52 = arith.index_cast %scan3A_42 : i32 to index
      %swap3A_53 = arith.constant 48 : index
      %swap3A_54 = tpu.vector_load %arg17[%swap3A_52, %swap3A_53] {strides = array<i32>} : memref<16x128xf32, #tpu.memory_space<vmem>>, vector<16xf32>,
      tpu.vector_store %arg17[%swap3A_52, %swap3A_53], %broadcast_in_dim3A_0 {strides = array<i32>} : memref<16x128xf32, #tpu.memory_space<vmem>>, vector<16xf32>,
      %swap3A_55 = arith.index_cast %scan3A_42 : i32 to index
      %swap3A_56 = arith.constant 64 : index
      %swap3A_57 = tpu.vector_load %arg17[%swap3A_55, %swap3A_56] {strides = array<i32>} : memref<16x128xf32, #tpu.memory_space<vmem>>, vector<16xf32>,
      tpu.vector_store %arg17[%swap3A_55, %swap3A_56], %broadcast_in_dim3A_0 {strides = array<i32>} : memref<16x128xf32, #tpu.memory_space<vmem>>, vector<16xf32>,
      %swap3A_58 = arith.index_cast %scan3A_42 : i32 to index
      %swap3A_59 = arith.constant 80 : index
      %swap3A_60 = tpu.vector_load %arg17[%swap3A_58, %swap3A_59] {strides = array<i32>} : memref<16x128xf32, #tpu.memory_space<vmem>>, vector<16xf32>,
      tpu.vector_store %arg17[%swap3A_58, %swap3A_59], %broadcast_in_dim3A_0 {strides = array<i32>} : memref<16x128xf32, #tpu.memory_space<vmem>>, vector<16xf32>,
      %swap3A_61 = arith.index_cast %scan3A_42 : i32 to index
      %swap3A_62 = arith.constant 96 : index
      %swap3A_63 = tpu.vector_load %arg17[%swap3A_61, %swap3A_62] {strides = array<i32>} : memref<16x128xf32, #tpu.memory_space<vmem>>, vector<16xf32>,
      tpu.vector_store %arg17[%swap3A_61, %swap3A_62], %broadcast_in_dim3A_0 {strides = array<i32>} : memref<16x128xf32, #tpu.memory_space<vmem>>, vector<16xf32>,
      %swap3A_64 = arith.index_cast %scan3A_42 : i32 to index
      %swap3A_65 = arith.constant 112 : index
      %swap3A_66 = tpu.vector_load %arg17[%swap3A_64, %swap3A_65] {strides = array<i32>} : memref<16x128xf32, #tpu.memory_space<vmem>>, vector<16xf32>,
      tpu.vector_store %arg17[%swap3A_64, %swap3A_65], %broadcast_in_dim3A_0 {strides = array<i32>} : memref<16x128xf32, #tpu.memory_space<vmem>>, vector<16xf32>,
      %scan3A_67 = arith.constant 0 : i32
      scf.yield %scan3A_67 : i32
    }
    %scan3A_12 = arith.constant 16 : i32
    %scan3A_13 = arith.constant 0 : i32
    %scan3A_14 = arith.constant 0 : i32
    %scan3A_15 = arith.constant 128 : i32
    %scan3A_16 = arith.addi %scan3A_14, %scan3A_15 : i32
    %scan3A_17 = arith.constant 1 : i32
    %scan3A_18 = scf.for %scan3A_42 = %scan3A_14 to %scan3A_16 step %scan3A_17 iter_args(%scan3A_43 = %scan3A_13) -> (i32)  : i32 {
      %swap3A = arith.index_cast %scan3A_42 : i32 to index
      %swap3A_44 = arith.constant 0 : index
      %swap3A_45 = tpu.vector_load %arg18[%swap3A, %swap3A_44] {strides = array<i32>} : memref<128x16xf32, #tpu.memory_space<vmem>>, vector<16xf32>,
      tpu.vector_store %arg18[%swap3A, %swap3A_44], %broadcast_in_dim3A_0 {strides = array<i32>} : memref<128x16xf32, #tpu.memory_space<vmem>>, vector<16xf32>,
      %scan3A_46 = arith.constant 0 : i32
      scf.yield %scan3A_46 : i32
    }
    %scan3A_19 = arith.constant 128 : i32
    %scan3A_20 = arith.constant 0 : i32
    %scan3A_21 = arith.constant 0 : i32
    %scan3A_22 = arith.constant 792 : i32
    %scan3A_23 = arith.addi %scan3A_21, %scan3A_22 : i32
    %scan3A_24 = arith.constant 1 : i32
    %scan3A_25 = scf.for %scan3A_42 = %scan3A_21 to %scan3A_23 step %scan3A_24 iter_args(%scan3A_43 = %scan3A_20) -> (i32)  : i32 {
      %mul3A_44 = arith.constant 16 : i32
      %mul3A_45 = arith.muli %mul3A_44, %scan3A_42 : i32
      %swap3A = arith.index_cast %mul3A_45 : i32 to index
      %swap3A_46 = tpu.vector_load %arg9[%swap3A] {strides = array<i32>} : memref<12672xi32, #tpu.memory_space<vmem>>, vector<16xi32>,
      tpu.vector_store %arg9[%swap3A], %broadcast_in_dim3A_2 {strides = array<i32>} : memref<12672xi32, #tpu.memory_space<vmem>>, vector<16xi32>,
      %scan3A_47 = arith.constant 0 : i32
      scf.yield %scan3A_47 : i32
    }
    %scan3A_26 = arith.constant 792 : i32
    %scan3A_27 = arith.constant 0 : i32
    %scan3A_28 = arith.constant 0 : i32
    %scan3A_29 = arith.constant 64 : i32
    %scan3A_30 = arith.addi %scan3A_28, %scan3A_29 : i32
    %scan3A_31 = arith.constant 1 : i32
    %scan3A_32 = scf.for %scan3A_42 = %scan3A_28 to %scan3A_30 step %scan3A_31 iter_args(%scan3A_43 = %scan3A_27) -> (i32)  : i32 {
      %swap3A = arith.index_cast %scan3A_42 : i32 to index
      %swap3A_44 = arith.constant 0 : index
      %swap3A_45 = tpu.vector_load %arg13[%swap3A, %swap3A_44] {strides = array<i32>} : memref<64x16xf32, #tpu.memory_space<vmem>>, vector<16xf32>,
      tpu.vector_store %arg13[%swap3A, %swap3A_44], %broadcast_in_dim3A_4 {strides = array<i32>} : memref<64x16xf32, #tpu.memory_space<vmem>>, vector<16xf32>,
      %scan3A_46 = arith.constant 0 : i32
      scf.yield %scan3A_46 : i32
    }
    %scan3A_33 = arith.constant 64 : i32
    "tpu.region"() ({
      %run_scoped3A = tpu.sem_alloc : memref<!tpu.dma_semaphore, #tpu.memory_space<semaphore_mem>>
      tpu.enqueue_dma source(%arg5 : memref<128xf32, #tpu.memory_space<hbm>>) target(%arg20 : memref<128xf32, #tpu.memory_space<vmem>>) target_semaphore(%run_scoped3A : memref<!tpu.dma_semaphore, #tpu.memory_space<semaphore_mem>>)
      tpu.wait_dma2 semaphore(%run_scoped3A : memref<!tpu.dma_semaphore, #tpu.memory_space<semaphore_mem>>) src(%arg5 : memref<128xf32, #tpu.memory_space<hbm>>) dst(%arg20 : memref<128xf32, #tpu.memory_space<vmem>>)
      tpu.yield
    }) : () -> ()
    %mul3A = arith.constant 128 : i32
    %mul3A_34 = arith.muli %arg1, %mul3A : i32
    "tpu.region"() ({
      %run_scoped3A = tpu.sem_alloc : memref<!tpu.dma_semaphore, #tpu.memory_space<semaphore_mem>>
      %dma_start3A = arith.constant 0 : i32
      %dma_start3A_42 = tpu.memref_slice %arg23[%mul3A_34, %dma_start3A] : memref<2048x16xf32, #tpu.memory_space<vmem_shared>> -> memref<128x16xf32, #tpu.memory_space<vmem_shared>>
      %dma_start3A_43 = arith.constant 0 : i32
      %dma_start3A_44 = tpu.memref_slice %arg23[%mul3A_34, %dma_start3A_43] : memref<2048x16xf32, #tpu.memory_space<vmem_shared>> -> memref<128x16xf32, #tpu.memory_space<vmem_shared>>
      tpu.enqueue_dma source(%arg18 : memref<128x16xf32, #tpu.memory_space<vmem>>) target(%dma_start3A_44 : memref<128x16xf32, #tpu.memory_space<vmem_shared>>) target_semaphore(%run_scoped3A : memref<!tpu.dma_semaphore, #tpu.memory_space<semaphore_mem>>)
      %dma_wait3A = arith.constant 0 : i32
      %dma_wait3A_45 = tpu.memref_slice %arg23[%mul3A_34, %dma_wait3A] : memref<2048x16xf32, #tpu.memory_space<vmem_shared>> -> memref<128x16xf32, #tpu.memory_space<vmem_shared>>
      %dma_wait3A_46 = arith.constant 0 : i32
      %dma_wait3A_47 = tpu.memref_slice %arg23[%mul3A_34, %dma_wait3A_46] : memref<2048x16xf32, #tpu.memory_space<vmem_shared>> -> memref<128x16xf32, #tpu.memory_space<vmem_shared>>
      tpu.wait_dma2 semaphore(%run_scoped3A : memref<!tpu.dma_semaphore, #tpu.memory_space<semaphore_mem>>) src(%arg18 : memref<128x16xf32, #tpu.memory_space<vmem>>) dst(%dma_wait3A_47 : memref<128x16xf32, #tpu.memory_space<vmem_shared>>)
      tpu.yield
    }) : () -> ()
    %barrier3A = arith.constant 0 : index
    tpu.barrier barrier_id(%barrier3A)
    %scan3A_35 = arith.constant 0 : i32
    %scan3A_36 = arith.constant 0 : i32
    %scan3A_37 = arith.constant 25 : i32
    %scan3A_38 = arith.addi %scan3A_36, %scan3A_37 : i32
    %scan3A_39 = arith.constant 1 : i32
    %scan3A_40 = scf.for %scan3A_42 = %scan3A_36 to %scan3A_38 step %scan3A_39 iter_args(%scan3A_43 = %scan3A_35) -> (i32)  : i32 {
      %mul3A_44 = arith.constant 50000 : i32
      %mul3A_45 = arith.muli %arg0, %mul3A_44 : i32
      %mul3A_46 = arith.constant 2000 : i32
      %mul3A_47 = arith.muli %scan3A_42, %mul3A_46 : i32
      %add3A = arith.addi %mul3A_45, %mul3A_47 : i32
      %scan3A_48 = arith.constant 0 : i32
      %scan3A_49 = arith.constant 0 : i32
      %scan3A_50 = arith.constant 8 : i32
      %scan3A_51 = arith.addi %scan3A_49, %scan3A_50 : i32
      %scan3A_52 = arith.constant 1 : i32
      %scan3A_53 = scf.for %scan3A_71 = %scan3A_49 to %scan3A_51 step %scan3A_52 iter_args(%scan3A_72 = %scan3A_48) -> (i32)  : i32 {
        %mul3A_73 = arith.constant 128 : i32
        %mul3A_74 = arith.muli %arg1, %mul3A_73 : i32
        %mul3A_75 = arith.constant 16 : i32
        %mul3A_76 = arith.muli %scan3A_71, %mul3A_75 : i32
        %add3A_77 = arith.addi %mul3A_74, %mul3A_76 : i32
        "tpu.region"() ({
          %run_scoped3A = tpu.sem_alloc : memref<!tpu.dma_semaphore, #tpu.memory_space<semaphore_mem>>
          %dma_start3A = arith.constant 0 : i32
          %dma_start3A_79 = tpu.memref_slice %arg22[%add3A_77, %dma_start3A] : memref<2048x128xf32, #tpu.memory_space<vmem_shared>> -> memref<16x128xf32, #tpu.memory_space<vmem_shared>>
          %dma_start3A_80 = arith.constant 0 : i32
          %dma_start3A_81 = tpu.memref_slice %arg22[%add3A_77, %dma_start3A_80] : memref<2048x128xf32, #tpu.memory_space<vmem_shared>> -> memref<16x128xf32, #tpu.memory_space<vmem_shared>>
          tpu.enqueue_dma source(%arg17 : memref<16x128xf32, #tpu.memory_space<vmem>>) target(%dma_start3A_81 : memref<16x128xf32, #tpu.memory_space<vmem_shared>>) target_semaphore(%run_scoped3A : memref<!tpu.dma_semaphore, #tpu.memory_space<semaphore_mem>>)
          %dma_wait3A = arith.constant 0 : i32
          %dma_wait3A_82 = tpu.memref_slice %arg22[%add3A_77, %dma_wait3A] : memref<2048x128xf32, #tpu.memory_space<vmem_shared>> -> memref<16x128xf32, #tpu.memory_space<vmem_shared>>
          %dma_wait3A_83 = arith.constant 0 : i32
          %dma_wait3A_84 = tpu.memref_slice %arg22[%add3A_77, %dma_wait3A_83] : memref<2048x128xf32, #tpu.memory_space<vmem_shared>> -> memref<16x128xf32, #tpu.memory_space<vmem_shared>>
          tpu.wait_dma2 semaphore(%run_scoped3A : memref<!tpu.dma_semaphore, #tpu.memory_space<semaphore_mem>>) src(%arg17 : memref<16x128xf32, #tpu.memory_space<vmem>>) dst(%dma_wait3A_84 : memref<16x128xf32, #tpu.memory_space<vmem_shared>>)
          tpu.yield
        }) : () -> ()
        %scan3A_78 = arith.constant 0 : i32
        scf.yield %scan3A_78 : i32
      }
      %scan3A_54 = arith.constant 8 : i32
      %barrier3A_55 = arith.constant 0 : index
      tpu.barrier barrier_id(%barrier3A_55)
      %scan3A_56 = arith.constant 0 : i32
      %scan3A_57 = arith.constant 7 : i32
      %scan3A_58 = arith.addi %scan3A_56, %scan3A_57 : i32
      %scan3A_59 = arith.constant 1 : i32
      scf.for %scan3A_71 = %scan3A_56 to %scan3A_58 step %scan3A_59  : i32 {
        %mul3A_72 = arith.constant 12544 : i32
        %mul3A_73 = arith.muli %arg1, %mul3A_72 : i32
        %scan3A_74 = arith.constant 0 : i32
        %scan3A_75 = arith.constant 0 : i32
        %scan3A_76 = arith.constant 7 : i32
        %scan3A_77 = arith.addi %scan3A_75, %scan3A_76 : i32
        %scan3A_78 = arith.constant 1 : i32
        %scan3A_79 = scf.for %scan3A_135 = %scan3A_75 to %scan3A_77 step %scan3A_78 iter_args(%scan3A_136 = %scan3A_74) -> (i32)  : i32 {
          %mul3A_137 = arith.constant 1792 : i32
          %mul3A_138 = arith.muli %scan3A_135, %mul3A_137 : i32
          %add3A_139 = arith.addi %mul3A_73, %mul3A_138 : i32
          %dma_start3A = arith.constant 0 : i32
          %dma_start3A_140 = tpu.memref_slice %arg3[%scan3A_71, %dma_start3A] : memref<7x200704xi32, #tpu.memory_space<hbm>> -> memref<1x200704xi32, #tpu.memory_space<hbm>>
          %dma_start3A_141 = tpu.memref_squeeze %dma_start3A_140 : memref<1x200704xi32, #tpu.memory_space<hbm>> -> memref<200704xi32, #tpu.memory_space<hbm>>
          %dma_start3A_142 = tpu.memref_slice %dma_start3A_141[%add3A_139] : memref<200704xi32, #tpu.memory_space<hbm>> -> memref<1792xi32, #tpu.memory_space<hbm>>
          %dma_start3A_143 = arith.constant 0 : i32
          %dma_start3A_144 = tpu.memref_slice %arg3[%scan3A_71, %dma_start3A_143] : memref<7x200704xi32, #tpu.memory_space<hbm>> -> memref<1x200704xi32, #tpu.memory_space<hbm>>
          %dma_start3A_145 = tpu.memref_squeeze %dma_start3A_144 : memref<1x200704xi32, #tpu.memory_space<hbm>> -> memref<200704xi32, #tpu.memory_space<hbm>>
          %dma_start3A_146 = tpu.memref_slice %dma_start3A_145[%add3A_139] : memref<200704xi32, #tpu.memory_space<hbm>> -> memref<1792xi32, #tpu.memory_space<hbm>>
          tpu.enqueue_dma source(%dma_start3A_146 : memref<1792xi32, #tpu.memory_space<hbm>>) target(%arg7 : memref<1792xi32, #tpu.memory_space<vmem>>) target_semaphore(%arg24 : memref<!tpu.dma_semaphore, #tpu.memory_space<semaphore_mem>>)
          %dma_start3A_147 = arith.constant 0 : i32
          %dma_start3A_148 = tpu.memref_slice %arg4[%scan3A_71, %dma_start3A_147] : memref<7x200704xi32, #tpu.memory_space<hbm>> -> memref<1x200704xi32, #tpu.memory_space<hbm>>
          %dma_start3A_149 = tpu.memref_squeeze %dma_start3A_148 : memref<1x200704xi32, #tpu.memory_space<hbm>> -> memref<200704xi32, #tpu.memory_space<hbm>>
          %dma_start3A_150 = tpu.memref_slice %dma_start3A_149[%add3A_139] : memref<200704xi32, #tpu.memory_space<hbm>> -> memref<1792xi32, #tpu.memory_space<hbm>>
          %dma_start3A_151 = arith.constant 0 : i32
          %dma_start3A_152 = tpu.memref_slice %arg4[%scan3A_71, %dma_start3A_151] : memref<7x200704xi32, #tpu.memory_space<hbm>> -> memref<1x200704xi32, #tpu.memory_space<hbm>>
          %dma_start3A_153 = tpu.memref_squeeze %dma_start3A_152 : memref<1x200704xi32, #tpu.memory_space<hbm>> -> memref<200704xi32, #tpu.memory_space<hbm>>
          %dma_start3A_154 = tpu.memref_slice %dma_start3A_153[%add3A_139] : memref<200704xi32, #tpu.memory_space<hbm>> -> memref<1792xi32, #tpu.memory_space<hbm>>
          tpu.enqueue_dma source(%dma_start3A_154 : memref<1792xi32, #tpu.memory_space<hbm>>) target(%arg8 : memref<1792xi32, #tpu.memory_space<vmem>>) target_semaphore(%arg25 : memref<!tpu.dma_semaphore, #tpu.memory_space<semaphore_mem>>)
          %dma_wait3A = arith.constant 0 : i32
          %dma_wait3A_155 = tpu.memref_slice %arg3[%scan3A_71, %dma_wait3A] : memref<7x200704xi32, #tpu.memory_space<hbm>> -> memref<1x200704xi32, #tpu.memory_space<hbm>>
          %dma_wait3A_156 = tpu.memref_squeeze %dma_wait3A_155 : memref<1x200704xi32, #tpu.memory_space<hbm>> -> memref<200704xi32, #tpu.memory_space<hbm>>
          %dma_wait3A_157 = tpu.memref_slice %dma_wait3A_156[%add3A_139] : memref<200704xi32, #tpu.memory_space<hbm>> -> memref<1792xi32, #tpu.memory_space<hbm>>
          %dma_wait3A_158 = arith.constant 0 : i32
          %dma_wait3A_159 = tpu.memref_slice %arg3[%scan3A_71, %dma_wait3A_158] : memref<7x200704xi32, #tpu.memory_space<hbm>> -> memref<1x200704xi32, #tpu.memory_space<hbm>>
          %dma_wait3A_160 = tpu.memref_squeeze %dma_wait3A_159 : memref<1x200704xi32, #tpu.memory_space<hbm>> -> memref<200704xi32, #tpu.memory_space<hbm>>
          %dma_wait3A_161 = tpu.memref_slice %dma_wait3A_160[%add3A_139] : memref<200704xi32, #tpu.memory_space<hbm>> -> memref<1792xi32, #tpu.memory_space<hbm>>
          tpu.wait_dma2 semaphore(%arg24 : memref<!tpu.dma_semaphore, #tpu.memory_space<semaphore_mem>>) src(%dma_wait3A_161 : memref<1792xi32, #tpu.memory_space<hbm>>) dst(%arg7 : memref<1792xi32, #tpu.memory_space<vmem>>)
          %dma_wait3A_162 = arith.constant 0 : i32
          %dma_wait3A_163 = tpu.memref_slice %arg4[%scan3A_71, %dma_wait3A_162] : memref<7x200704xi32, #tpu.memory_space<hbm>> -> memref<1x200704xi32, #tpu.memory_space<hbm>>
          %dma_wait3A_164 = tpu.memref_squeeze %dma_wait3A_163 : memref<1x200704xi32, #tpu.memory_space<hbm>> -> memref<200704xi32, #tpu.memory_space<hbm>>
          %dma_wait3A_165 = tpu.memref_slice %dma_wait3A_164[%add3A_139] : memref<200704xi32, #tpu.memory_space<hbm>> -> memref<1792xi32, #tpu.memory_space<hbm>>
          %dma_wait3A_166 = arith.constant 0 : i32
          %dma_wait3A_167 = tpu.memref_slice %arg4[%scan3A_71, %dma_wait3A_166] : memref<7x200704xi32, #tpu.memory_space<hbm>> -> memref<1x200704xi32, #tpu.memory_space<hbm>>
          %dma_wait3A_168 = tpu.memref_squeeze %dma_wait3A_167 : memref<1x200704xi32, #tpu.memory_space<hbm>> -> memref<200704xi32, #tpu.memory_space<hbm>>
          %dma_wait3A_169 = tpu.memref_slice %dma_wait3A_168[%add3A_139] : memref<200704xi32, #tpu.memory_space<hbm>> -> memref<1792xi32, #tpu.memory_space<hbm>>
          tpu.wait_dma2 semaphore(%arg25 : memref<!tpu.dma_semaphore, #tpu.memory_space<semaphore_mem>>) src(%dma_wait3A_169 : memref<1792xi32, #tpu.memory_space<hbm>>) dst(%arg8 : memref<1792xi32, #tpu.memory_space<vmem>>)
          %scan3A_170 = arith.constant 0 : i32
          %scan3A_171 = arith.constant 112 : i32
          %scan3A_172 = arith.addi %scan3A_170, %scan3A_171 : i32
          %scan3A_173 = arith.constant 1 : i32
          %scan3A_174 = scf.for %scan3A_176 = %scan3A_170 to %scan3A_172 step %scan3A_173 iter_args(%scan3A_177 = %scan3A_136) -> (i32)  : i32 {
            %mul3A_178 = arith.constant 16 : i32
            %mul3A_179 = arith.muli %mul3A_178, %scan3A_176 : i32
            %get3A = arith.index_cast %mul3A_179 : i32 to index
            %get3A_180 = tpu.vector_load %arg7[%get3A] {strides = array<i32>} : memref<1792xi32, #tpu.memory_space<vmem>>, vector<16xi32>,
            %mul3A_181 = arith.constant 16 : i32
            %mul3A_182 = arith.muli %mul3A_181, %scan3A_176 : i32
            %get3A_183 = arith.index_cast %mul3A_182 : i32 to index
            %get3A_184 = tpu.vector_load %arg8[%get3A_183] {strides = array<i32>} : memref<1792xi32, #tpu.memory_space<vmem>>, vector<16xi32>,
            %sub3A = vector.broadcast %add3A : i32 to vector<16xi32>
            %sub3A_185 = arith.subi %get3A_184, %sub3A : vector<16xi32>
            %ge3A = arith.constant 0 : i32
            %ge3A_186 = vector.broadcast %ge3A : i32 to vector<16xi32>
            %ge3A_187 = arith.cmpi sge, %sub3A_185, %ge3A_186 : vector<16xi32>
            %lt3A = arith.constant 2000 : i32
            %lt3A_188 = vector.broadcast %lt3A : i32 to vector<16xi32>
            %lt3A_189 = arith.cmpi slt, %sub3A_185, %lt3A_188 : vector<16xi32>
            %and3A = arith.andi %ge3A_187, %lt3A_189 : vector<16xi1>
            %convert_element_type3A = arith.extui %and3A : vector<16xi1> to vector<16xi32>
            %swap3A = arith.constant 0 : index
            %swap3A_190 = tpu.vector_load %arg15[%swap3A] {strides = array<i32>} : memref<16xi32, #tpu.memory_space<vmem>>, vector<16xi32>,
            tpu.vector_store %arg15[%swap3A], %convert_element_type3A {strides = array<i32>} : memref<16xi32, #tpu.memory_space<vmem>>, vector<16xi32>,
            %sub3A_191 = arith.constant 1 : i32
            %sub3A_192 = vector.broadcast %sub3A_191 : i32 to vector<16xi32>
            %sub3A_193 = arith.subi %iota3A, %sub3A_192 : vector<16xi32>
            %max3A = arith.constant 0 : i32
            %max3A_194 = vector.broadcast %max3A : i32 to vector<16xi32>
            %max3A_195 = arith.maxsi %sub3A_193, %max3A_194 : vector<16xi32>
            %gather3A = tpu.vector_load_idx %arg15[%max3A_195] : memref<16xi32, #tpu.memory_space<vmem>>[vector<16xi32>], vector<16xi32>,
            %ge3A_196 = arith.constant 1 : i32
            %ge3A_197 = vector.broadcast %ge3A_196 : i32 to vector<16xi32>
            %ge3A_198 = arith.cmpi sge, %iota3A, %ge3A_197 : vector<16xi32>
            %jit3A = arith.constant 0 : i32
            %broadcast_in_dim3A_199 = vector.broadcast %jit3A : i32 to vector<16xi32>
            %select_n3A = arith.select %ge3A_198, %gather3A, %broadcast_in_dim3A_199 : vector<16xi1>, vector<16xi32>
            %add3A_200 = arith.addi %convert_element_type3A, %select_n3A : vector<16xi32>
            %swap3A_201 = arith.constant 0 : index
            %swap3A_202 = tpu.vector_load %arg15[%swap3A_201] {strides = array<i32>} : memref<16xi32, #tpu.memory_space<vmem>>, vector<16xi32>,
            tpu.vector_store %arg15[%swap3A_201], %add3A_200 {strides = array<i32>} : memref<16xi32, #tpu.memory_space<vmem>>, vector<16xi32>,
            %sub3A_203 = arith.constant 2 : i32
            %sub3A_204 = vector.broadcast %sub3A_203 : i32 to vector<16xi32>
            %sub3A_205 = arith.subi %iota3A, %sub3A_204 : vector<16xi32>
            %max3A_206 = arith.constant 0 : i32
            %max3A_207 = vector.broadcast %max3A_206 : i32 to vector<16xi32>
            %max3A_208 = arith.maxsi %sub3A_205, %max3A_207 : vector<16xi32>
            %gather3A_209 = tpu.vector_load_idx %arg15[%max3A_208] : memref<16xi32, #tpu.memory_space<vmem>>[vector<16xi32>], vector<16xi32>,
            %ge3A_210 = arith.constant 2 : i32
            %ge3A_211 = vector.broadcast %ge3A_210 : i32 to vector<16xi32>
            %ge3A_212 = arith.cmpi sge, %iota3A, %ge3A_211 : vector<16xi32>
            %jit3A_213 = arith.constant 0 : i32
            %broadcast_in_dim3A_214 = vector.broadcast %jit3A_213 : i32 to vector<16xi32>
            %select_n3A_215 = arith.select %ge3A_212, %gather3A_209, %broadcast_in_dim3A_214 : vector<16xi1>, vector<16xi32>
            %add3A_216 = arith.addi %add3A_200, %select_n3A_215 : vector<16xi32>
            %swap3A_217 = arith.constant 0 : index
            %swap3A_218 = tpu.vector_load %arg15[%swap3A_217] {strides = array<i32>} : memref<16xi32, #tpu.memory_space<vmem>>, vector<16xi32>,
            tpu.vector_store %arg15[%swap3A_217], %add3A_216 {strides = array<i32>} : memref<16xi32, #tpu.memory_space<vmem>>, vector<16xi32>,
            %sub3A_219 = arith.constant 4 : i32
            %sub3A_220 = vector.broadcast %sub3A_219 : i32 to vector<16xi32>
            %sub3A_221 = arith.subi %iota3A, %sub3A_220 : vector<16xi32>
            %max3A_222 = arith.constant 0 : i32
            %max3A_223 = vector.broadcast %max3A_222 : i32 to vector<16xi32>
            %max3A_224 = arith.maxsi %sub3A_221, %max3A_223 : vector<16xi32>
            %gather3A_225 = tpu.vector_load_idx %arg15[%max3A_224] : memref<16xi32, #tpu.memory_space<vmem>>[vector<16xi32>], vector<16xi32>,
            %ge3A_226 = arith.constant 4 : i32
            %ge3A_227 = vector.broadcast %ge3A_226 : i32 to vector<16xi32>
            %ge3A_228 = arith.cmpi sge, %iota3A, %ge3A_227 : vector<16xi32>
            %jit3A_229 = arith.constant 0 : i32
            %broadcast_in_dim3A_230 = vector.broadcast %jit3A_229 : i32 to vector<16xi32>
            %select_n3A_231 = arith.select %ge3A_228, %gather3A_225, %broadcast_in_dim3A_230 : vector<16xi1>, vector<16xi32>
            %add3A_232 = arith.addi %add3A_216, %select_n3A_231 : vector<16xi32>
            %swap3A_233 = arith.constant 0 : index
            %swap3A_234 = tpu.vector_load %arg15[%swap3A_233] {strides = array<i32>} : memref<16xi32, #tpu.memory_space<vmem>>, vector<16xi32>,
            tpu.vector_store %arg15[%swap3A_233], %add3A_232 {strides = array<i32>} : memref<16xi32, #tpu.memory_space<vmem>>, vector<16xi32>,
            %sub3A_235 = arith.constant 8 : i32
            %sub3A_236 = vector.broadcast %sub3A_235 : i32 to vector<16xi32>
            %sub3A_237 = arith.subi %iota3A, %sub3A_236 : vector<16xi32>
            %max3A_238 = arith.constant 0 : i32
            %max3A_239 = vector.broadcast %max3A_238 : i32 to vector<16xi32>
            %max3A_240 = arith.maxsi %sub3A_237, %max3A_239 : vector<16xi32>
            %gather3A_241 = tpu.vector_load_idx %arg15[%max3A_240] : memref<16xi32, #tpu.memory_space<vmem>>[vector<16xi32>], vector<16xi32>,
            %ge3A_242 = arith.constant 8 : i32
            %ge3A_243 = vector.broadcast %ge3A_242 : i32 to vector<16xi32>
            %ge3A_244 = arith.cmpi sge, %iota3A, %ge3A_243 : vector<16xi32>
            %jit3A_245 = arith.constant 0 : i32
            %broadcast_in_dim3A_246 = vector.broadcast %jit3A_245 : i32 to vector<16xi32>
            %select_n3A_247 = arith.select %ge3A_244, %gather3A_241, %broadcast_in_dim3A_246 : vector<16xi1>, vector<16xi32>
            %add3A_248 = arith.addi %add3A_232, %select_n3A_247 : vector<16xi32>
            %add3A_249 = vector.broadcast %scan3A_177 : i32 to vector<16xi32>
            %add3A_250 = arith.addi %add3A_249, %add3A_248 : vector<16xi32>
            %sub3A_251 = arith.subi %add3A_250, %convert_element_type3A : vector<16xi32>
            %add3A_252 = arith.constant 12656 : i32
            %add3A_253 = vector.broadcast %add3A_252 : i32 to vector<16xi32>
            %add3A_254 = arith.addi %add3A_253, %iota3A : vector<16xi32>
            %select_n3A_255 = arith.select %and3A, %sub3A_251, %add3A_254 : vector<16xi1>, vector<16xi32>
            tpu.vector_store_idx %arg9[%select_n3A_255], %get3A_180 : memref<12672xi32, #tpu.memory_space<vmem>>[vector<16xi32>], vector<16xi32>,
            tpu.vector_store_idx %arg10[%select_n3A_255], %sub3A_185 : memref<12672xi32, #tpu.memory_space<vmem>>[vector<16xi32>], vector<16xi32>,
            %slice3A = vector.extract_strided_slice %add3A_248 {offsets = [15], sizes = [1], strides = [1]} : vector<16xi32> to vector<1xi32>
            %squeeze3A = vector.extract %slice3A[0] : i32 from vector<1xi32>
            %add3A_256 = arith.addi %scan3A_177, %squeeze3A : i32
            scf.yield %add3A_256 : i32
          }
          %scan3A_175 = arith.constant 112 : i32
          scf.yield %scan3A_174 : i32
        }
        %scan3A_80 = arith.constant 7 : i32
        %add3A_81 = arith.constant 0 : i32
        %add3A_82 = arith.addi %scan3A_79, %add3A_81 : i32
        %add3A_83 = vector.broadcast %add3A_82 : i32 to vector<16xi32>
        %add3A_84 = arith.addi %add3A_83, %iota3A : vector<16xi32>
        tpu.vector_store_idx %arg10[%add3A_84], %broadcast_in_dim3A_6 : memref<12672xi32, #tpu.memory_space<vmem>>[vector<16xi32>], vector<16xi32>,
        %add3A_85 = arith.constant 16 : i32
        %add3A_86 = arith.addi %scan3A_79, %add3A_85 : i32
        %add3A_87 = vector.broadcast %add3A_86 : i32 to vector<16xi32>
        %add3A_88 = arith.addi %add3A_87, %iota3A : vector<16xi32>
        tpu.vector_store_idx %arg10[%add3A_88], %broadcast_in_dim3A_6 : memref<12672xi32, #tpu.memory_space<vmem>>[vector<16xi32>], vector<16xi32>,
        %add3A_89 = arith.constant 32 : i32
        %add3A_90 = arith.addi %scan3A_79, %add3A_89 : i32
        %add3A_91 = vector.broadcast %add3A_90 : i32 to vector<16xi32>
        %add3A_92 = arith.addi %add3A_91, %iota3A : vector<16xi32>
        tpu.vector_store_idx %arg10[%add3A_92], %broadcast_in_dim3A_6 : memref<12672xi32, #tpu.memory_space<vmem>>[vector<16xi32>], vector<16xi32>,
        %add3A_93 = arith.constant 48 : i32
        %add3A_94 = arith.addi %scan3A_79, %add3A_93 : i32
        %add3A_95 = vector.broadcast %add3A_94 : i32 to vector<16xi32>
        %add3A_96 = arith.addi %add3A_95, %iota3A : vector<16xi32>
        tpu.vector_store_idx %arg10[%add3A_96], %broadcast_in_dim3A_6 : memref<12672xi32, #tpu.memory_space<vmem>>[vector<16xi32>], vector<16xi32>,
        %add3A_97 = arith.constant 63 : i32
        %add3A_98 = arith.addi %scan3A_79, %add3A_97 : i32
        %shift_right_arithmetic3A = arith.constant 6 : i32
        %shift_right_arithmetic3A_99 = arith.shrsi %add3A_98, %shift_right_arithmetic3A : i32
        %while3A = arith.constant 0 : i32
        %while3A_100 = arith.constant 0 : i32
        %while3A_101 = arith.subi %shift_right_arithmetic3A_99, %while3A : i32
        %while3A_102 = arith.addi %while3A, %while3A_101 : i32
        %while3A_103 = arith.constant 1 : i32
        %while3A_104 = arith.divsi %while3A_101, %while3A_103 : i32
        %while3A_105 = arith.muli %while3A_104, %while3A_103 : i32
        %while3A_106 = arith.addi %while3A, %while3A_105 : i32
        %while3A_107 = arith.constant 1 : i32
        %while3A_108 = scf.for %while3A_135 = %while3A to %while3A_106 step %while3A_107 iter_args(%while3A_136 = %while3A_100) -> (i32)  : i32 {
          %scan3A_137 = arith.constant 0 : i32
          %scan3A_138 = arith.constant 0 : i32
          %scan3A_139 = arith.constant 4 : i32
          %scan3A_140 = arith.addi %scan3A_138, %scan3A_139 : i32
          %scan3A_141 = arith.constant 1 : i32
          %scan3A_142 = scf.for %scan3A_145 = %scan3A_138 to %scan3A_140 step %scan3A_141 iter_args(%scan3A_146 = %scan3A_137) -> (i32)  : i32 {
            %mul3A_147 = arith.constant 64 : i32
            %mul3A_148 = arith.muli %while3A_135, %mul3A_147 : i32
            %mul3A_149 = arith.constant 16 : i32
            %mul3A_150 = arith.muli %mul3A_149, %scan3A_145 : i32
            %add3A_151 = arith.addi %mul3A_148, %mul3A_150 : i32
            %get3A = arith.index_cast %add3A_151 : i32 to index
            %get3A_152 = tpu.vector_load %arg10[%get3A] {strides = array<i32>} : memref<12672xi32, #tpu.memory_space<vmem>>, vector<16xi32>,
            %mul3A_153 = arith.constant 16 : i32
            %mul3A_154 = arith.muli %mul3A_153, %scan3A_145 : i32
            %swap3A = arith.index_cast %mul3A_154 : i32 to index
            %swap3A_155 = tpu.vector_load %arg11[%swap3A] {strides = array<i32>} : memref<64xi32, #tpu.memory_space<vmem>>, vector<16xi32>,
            tpu.vector_store %arg11[%swap3A], %get3A_152 {strides = array<i32>} : memref<64xi32, #tpu.memory_space<vmem>>, vector<16xi32>,
            %scan3A_156 = arith.constant 0 : i32
            scf.yield %scan3A_156 : i32
          }
          %scan3A_143 = arith.constant 4 : i32
          "tpu.region"() ({
            %run_scoped3A = tpu.sem_alloc : memref<!tpu.dma_semaphore, #tpu.memory_space<semaphore_mem>>
            %dma_start3A = arith.constant 0 : i32
            %dma_start3A_145 = arith.constant 0 : i32
            %dma_start3A_146 = tpu.memref_slice %arg23[%dma_start3A, %dma_start3A_145] : memref<2048x16xf32, #tpu.memory_space<vmem_shared>> -> memref<2048x16xf32, #tpu.memory_space<vmem_shared>>
            tpu.enqueue_indirect_dma source(%arg13 : memref<64x16xf32, #tpu.memory_space<vmem>>) target(%dma_start3A_146 : memref<2048x16xf32, #tpu.memory_space<vmem_shared>>) offsets(%arg11 : memref<64xi32, #tpu.memory_space<vmem>>) semaphore(%run_scoped3A : memref<!tpu.dma_semaphore, #tpu.memory_space<semaphore_mem>>) {add = true}
            %dma_wait3A = arith.constant 0 : i32
            %dma_wait3A_147 = arith.constant 0 : i32
            %dma_wait3A_148 = tpu.memref_slice %arg23[%dma_wait3A, %dma_wait3A_147] : memref<2048x16xf32, #tpu.memory_space<vmem_shared>> -> memref<2048x16xf32, #tpu.memory_space<vmem_shared>>
            tpu.wait_indirect_dma semaphore(%run_scoped3A : memref<!tpu.dma_semaphore, #tpu.memory_space<semaphore_mem>>) src(%arg13 : memref<64x16xf32, #tpu.memory_space<vmem>>) dst(%dma_wait3A_148 : memref<2048x16xf32, #tpu.memory_space<vmem_shared>>)
            tpu.yield
          }) : () -> ()
          %while3A_144 = arith.constant 0 : i32
          scf.yield %while3A_144 : i32
        }
        %while3A_109 = arith.constant 1 : i32
        %while3A_110 = scf.for %while3A_135 = %while3A_106 to %while3A_102 step %while3A_109 iter_args(%while3A_136 = %while3A_108) -> (i32)  : i32 {
          %scan3A_137 = arith.constant 0 : i32
          %scan3A_138 = arith.constant 0 : i32
          %scan3A_139 = arith.constant 4 : i32
          %scan3A_140 = arith.addi %scan3A_138, %scan3A_139 : i32
          %scan3A_141 = arith.constant 1 : i32
          %scan3A_142 = scf.for %scan3A_145 = %scan3A_138 to %scan3A_140 step %scan3A_141 iter_args(%scan3A_146 = %scan3A_137) -> (i32)  : i32 {
            %mul3A_147 = arith.constant 64 : i32
            %mul3A_148 = arith.muli %while3A_135, %mul3A_147 : i32
            %mul3A_149 = arith.constant 16 : i32
            %mul3A_150 = arith.muli %mul3A_149, %scan3A_145 : i32
            %add3A_151 = arith.addi %mul3A_148, %mul3A_150 : i32
            %get3A = arith.index_cast %add3A_151 : i32 to index
            %get3A_152 = tpu.vector_load %arg10[%get3A] {strides = array<i32>} : memref<12672xi32, #tpu.memory_space<vmem>>, vector<16xi32>,
            %mul3A_153 = arith.constant 16 : i32
            %mul3A_154 = arith.muli %mul3A_153, %scan3A_145 : i32
            %swap3A = arith.index_cast %mul3A_154 : i32 to index
            %swap3A_155 = tpu.vector_load %arg11[%swap3A] {strides = array<i32>} : memref<64xi32, #tpu.memory_space<vmem>>, vector<16xi32>,
            tpu.vector_store %arg11[%swap3A], %get3A_152 {strides = array<i32>} : memref<64xi32, #tpu.memory_space<vmem>>, vector<16xi32>,
            %scan3A_156 = arith.constant 0 : i32
            scf.yield %scan3A_156 : i32
          }
          %scan3A_143 = arith.constant 4 : i32
          "tpu.region"() ({
            %run_scoped3A = tpu.sem_alloc : memref<!tpu.dma_semaphore, #tpu.memory_space<semaphore_mem>>
            %dma_start3A = arith.constant 0 : i32
            %dma_start3A_145 = arith.constant 0 : i32
            %dma_start3A_146 = tpu.memref_slice %arg23[%dma_start3A, %dma_start3A_145] : memref<2048x16xf32, #tpu.memory_space<vmem_shared>> -> memref<2048x16xf32, #tpu.memory_space<vmem_shared>>
            tpu.enqueue_indirect_dma source(%arg13 : memref<64x16xf32, #tpu.memory_space<vmem>>) target(%dma_start3A_146 : memref<2048x16xf32, #tpu.memory_space<vmem_shared>>) offsets(%arg11 : memref<64xi32, #tpu.memory_space<vmem>>) semaphore(%run_scoped3A : memref<!tpu.dma_semaphore, #tpu.memory_space<semaphore_mem>>) {add = true}
            %dma_wait3A = arith.constant 0 : i32
            %dma_wait3A_147 = arith.constant 0 : i32
            %dma_wait3A_148 = tpu.memref_slice %arg23[%dma_wait3A, %dma_wait3A_147] : memref<2048x16xf32, #tpu.memory_space<vmem_shared>> -> memref<2048x16xf32, #tpu.memory_space<vmem_shared>>
            tpu.wait_indirect_dma semaphore(%run_scoped3A : memref<!tpu.dma_semaphore, #tpu.memory_space<semaphore_mem>>) src(%arg13 : memref<64x16xf32, #tpu.memory_space<vmem>>) dst(%dma_wait3A_148 : memref<2048x16xf32, #tpu.memory_space<vmem_shared>>)
            tpu.yield
          }) : () -> ()
          %while3A_144 = arith.constant 0 : i32
          scf.yield %while3A_144 : i32
        }
        %barrier3A_111 = arith.constant 0 : index
        tpu.barrier barrier_id(%barrier3A_111)
        %scan3A_112 = arith.constant 0 : i32
        %scan3A_113 = arith.constant 0 : i32
        %scan3A_114 = arith.constant 16 : i32
        %scan3A_115 = arith.addi %scan3A_113, %scan3A_114 : i32
        %scan3A_116 = arith.constant 1 : i32
        %scan3A_117 = scf.for %scan3A_135 = %scan3A_113 to %scan3A_115 step %scan3A_116 iter_args(%scan3A_136 = %scan3A_112) -> (i32)  : i32 {
          %mul3A_137 = arith.constant 128 : i32
          %mul3A_138 = arith.muli %scan3A_135, %mul3A_137 : i32
          "tpu.region"() ({
            %run_scoped3A = tpu.sem_alloc : memref<!tpu.dma_semaphore, #tpu.memory_space<semaphore_mem>>
            %dma_start3A = arith.constant 0 : i32
            %dma_start3A_147 = tpu.memref_slice %arg23[%mul3A_138, %dma_start3A] : memref<2048x16xf32, #tpu.memory_space<vmem_shared>> -> memref<128x16xf32, #tpu.memory_space<vmem_shared>>
            %dma_start3A_148 = arith.constant 0 : i32
            %dma_start3A_149 = tpu.memref_slice %arg23[%mul3A_138, %dma_start3A_148] : memref<2048x16xf32, #tpu.memory_space<vmem_shared>> -> memref<128x16xf32, #tpu.memory_space<vmem_shared>>
            tpu.enqueue_dma source(%dma_start3A_149 : memref<128x16xf32, #tpu.memory_space<vmem_shared>>) target(%arg19 : memref<128x16xf32, #tpu.memory_space<vmem>>) target_semaphore(%run_scoped3A : memref<!tpu.dma_semaphore, #tpu.memory_space<semaphore_mem>>)
            %dma_wait3A = arith.constant 0 : i32
            %dma_wait3A_150 = tpu.memref_slice %arg23[%mul3A_138, %dma_wait3A] : memref<2048x16xf32, #tpu.memory_space<vmem_shared>> -> memref<128x16xf32, #tpu.memory_space<vmem_shared>>
            %dma_wait3A_151 = arith.constant 0 : i32
            %dma_wait3A_152 = tpu.memref_slice %arg23[%mul3A_138, %dma_wait3A_151] : memref<2048x16xf32, #tpu.memory_space<vmem_shared>> -> memref<128x16xf32, #tpu.memory_space<vmem_shared>>
            tpu.wait_dma2 semaphore(%run_scoped3A : memref<!tpu.dma_semaphore, #tpu.memory_space<semaphore_mem>>) src(%dma_wait3A_152 : memref<128x16xf32, #tpu.memory_space<vmem_shared>>) dst(%arg19 : memref<128x16xf32, #tpu.memory_space<vmem>>)
            tpu.yield
          }) : () -> ()
          %scan3A_139 = arith.constant 0 : i32
          %scan3A_140 = arith.constant 0 : i32
          %scan3A_141 = arith.constant 8 : i32
          %scan3A_142 = arith.addi %scan3A_140, %scan3A_141 : i32
          %scan3A_143 = arith.constant 1 : i32
          %scan3A_144 = scf.for %scan3A_147 = %scan3A_140 to %scan3A_142 step %scan3A_143 iter_args(%scan3A_148 = %scan3A_139) -> (i32)  : i32 {
            %mul3A_149 = arith.constant 16 : i32
            %mul3A_150 = arith.muli %mul3A_149, %scan3A_147 : i32
            %add3A_151 = vector.broadcast %mul3A_150 : i32 to vector<16xi32>
            %add3A_152 = arith.addi %add3A_151, %iota3A : vector<16xi32>
            %gather3A = tpu.vector_load_idx %arg19[%add3A_152, %broadcast_in_dim3A_2] : memref<128x16xf32, #tpu.memory_space<vmem>>[vector<16xi32>, vector<16xi32>], vector<16xf32>,
            %max3A = arith.constant 1.000000e+00 : f32
            %max3A_153 = vector.broadcast %max3A : f32 to vector<16xf32>
            %max3A_154 = arith.maximumf %gather3A, %max3A_153 : vector<16xf32>
            %div3A = arith.constant 0.142857149 : f32
            %div3A_155 = vector.broadcast %div3A : f32 to vector<16xf32>
            %div3A_156 = arith.divf %div3A_155, %max3A_154 : vector<16xf32>
            %mul3A_157 = arith.constant 128 : i32
            %mul3A_158 = arith.muli %scan3A_135, %mul3A_157 : i32
            %mul3A_159 = arith.constant 16 : i32
            %mul3A_160 = arith.muli %mul3A_159, %scan3A_147 : i32
            %add3A_161 = arith.addi %mul3A_158, %mul3A_160 : i32
            %swap3A = arith.index_cast %add3A_161 : i32 to index
            %swap3A_162 = tpu.vector_load %arg14[%swap3A] {strides = array<i32>} : memref<2048xf32, #tpu.memory_space<vmem>>, vector<16xf32>,
            tpu.vector_store %arg14[%swap3A], %div3A_156 {strides = array<i32>} : memref<2048xf32, #tpu.memory_space<vmem>>, vector<16xf32>,
            %scan3A_163 = arith.constant 0 : i32
            scf.yield %scan3A_163 : i32
          }
          %scan3A_145 = arith.constant 8 : i32
          %scan3A_146 = arith.constant 0 : i32
          scf.yield %scan3A_146 : i32
        }
        %scan3A_118 = arith.constant 16 : i32
        %barrier3A_119 = arith.constant 0 : index
        tpu.barrier barrier_id(%barrier3A_119)
        %mul3A_120 = arith.constant 128 : i32
        %mul3A_121 = arith.muli %arg1, %mul3A_120 : i32
        "tpu.region"() ({
          %run_scoped3A = tpu.sem_alloc : memref<!tpu.dma_semaphore, #tpu.memory_space<semaphore_mem>>
          %dma_start3A = arith.constant 0 : i32
          %dma_start3A_135 = tpu.memref_slice %arg23[%mul3A_121, %dma_start3A] : memref<2048x16xf32, #tpu.memory_space<vmem_shared>> -> memref<128x16xf32, #tpu.memory_space<vmem_shared>>
          %dma_start3A_136 = arith.constant 0 : i32
          %dma_start3A_137 = tpu.memref_slice %arg23[%mul3A_121, %dma_start3A_136] : memref<2048x16xf32, #tpu.memory_space<vmem_shared>> -> memref<128x16xf32, #tpu.memory_space<vmem_shared>>
          tpu.enqueue_dma source(%arg18 : memref<128x16xf32, #tpu.memory_space<vmem>>) target(%dma_start3A_137 : memref<128x16xf32, #tpu.memory_space<vmem_shared>>) target_semaphore(%run_scoped3A : memref<!tpu.dma_semaphore, #tpu.memory_space<semaphore_mem>>)
          %dma_wait3A = arith.constant 0 : i32
          %dma_wait3A_138 = tpu.memref_slice %arg23[%mul3A_121, %dma_wait3A] : memref<2048x16xf32, #tpu.memory_space<vmem_shared>> -> memref<128x16xf32, #tpu.memory_space<vmem_shared>>
          %dma_wait3A_139 = arith.constant 0 : i32
          %dma_wait3A_140 = tpu.memref_slice %arg23[%mul3A_121, %dma_wait3A_139] : memref<2048x16xf32, #tpu.memory_space<vmem_shared>> -> memref<128x16xf32, #tpu.memory_space<vmem_shared>>
          tpu.wait_dma2 semaphore(%run_scoped3A : memref<!tpu.dma_semaphore, #tpu.memory_space<semaphore_mem>>) src(%arg18 : memref<128x16xf32, #tpu.memory_space<vmem>>) dst(%dma_wait3A_140 : memref<128x16xf32, #tpu.memory_space<vmem_shared>>)
          tpu.yield
        }) : () -> ()
        %while3A_122 = arith.constant 0 : i32
        %while3A_123 = arith.constant 0 : i32
        %while3A_124 = arith.subi %shift_right_arithmetic3A_99, %while3A_122 : i32
        %while3A_125 = arith.addi %while3A_122, %while3A_124 : i32
        %while3A_126 = arith.constant 1 : i32
        %while3A_127 = arith.divsi %while3A_124, %while3A_126 : i32
        %while3A_128 = arith.muli %while3A_127, %while3A_126 : i32
        %while3A_129 = arith.addi %while3A_122, %while3A_128 : i32
        %while3A_130 = arith.constant 1 : i32
        %while3A_131 = scf.for %while3A_135 = %while3A_122 to %while3A_129 step %while3A_130 iter_args(%while3A_136 = %while3A_123) -> (i32)  : i32 {
          %scan3A_137 = arith.constant 0 : i32
          %scan3A_138 = arith.constant 0 : i32
          %scan3A_139 = arith.constant 4 : i32
          %scan3A_140 = arith.addi %scan3A_138, %scan3A_139 : i32
          %scan3A_141 = arith.constant 1 : i32
          %scan3A_142 = scf.for %scan3A_168 = %scan3A_138 to %scan3A_140 step %scan3A_141 iter_args(%scan3A_169 = %scan3A_137) -> (i32)  : i32 {
            %mul3A_170 = arith.constant 64 : i32
            %mul3A_171 = arith.muli %while3A_135, %mul3A_170 : i32
            %mul3A_172 = arith.constant 16 : i32
            %mul3A_173 = arith.muli %mul3A_172, %scan3A_168 : i32
            %add3A_174 = arith.addi %mul3A_171, %mul3A_173 : i32
            %get3A = arith.index_cast %add3A_174 : i32 to index
            %get3A_175 = tpu.vector_load %arg10[%get3A] {strides = array<i32>} : memref<12672xi32, #tpu.memory_space<vmem>>, vector<16xi32>,
            %mul3A_176 = arith.constant 16 : i32
            %mul3A_177 = arith.muli %mul3A_176, %scan3A_168 : i32
            %swap3A = arith.index_cast %mul3A_177 : i32 to index
            %swap3A_178 = tpu.vector_load %arg11[%swap3A] {strides = array<i32>} : memref<64xi32, #tpu.memory_space<vmem>>, vector<16xi32>,
            tpu.vector_store %arg11[%swap3A], %get3A_175 {strides = array<i32>} : memref<64xi32, #tpu.memory_space<vmem>>, vector<16xi32>,
            %scan3A_179 = arith.constant 0 : i32
            scf.yield %scan3A_179 : i32
          }
          %scan3A_143 = arith.constant 4 : i32
          %mul3A_144 = arith.constant 64 : i32
          %mul3A_145 = arith.muli %while3A_135, %mul3A_144 : i32
          %dma_start3A = tpu.memref_slice %arg9[%mul3A_145] : memref<12672xi32, #tpu.memory_space<vmem>> -> memref<64xi32, #tpu.memory_space<vmem>>
          %dma_start3A_146 = arith.constant 0 : i32
          %dma_start3A_147 = arith.constant 0 : i32
          %dma_start3A_148 = tpu.memref_slice %arg2[%scan3A_71, %dma_start3A_146, %dma_start3A_147] : memref<7x100000x128xf32, #tpu.memory_space<hbm>> -> memref<1x100000x128xf32, #tpu.memory_space<hbm>>
          %dma_start3A_149 = tpu.memref_squeeze %dma_start3A_148 : memref<1x100000x128xf32, #tpu.memory_space<hbm>> -> memref<100000x128xf32, #tpu.memory_space<hbm>>
          %dma_start3A_150 = arith.constant 0 : i32
          %dma_start3A_151 = arith.constant 0 : i32
          %dma_start3A_152 = tpu.memref_slice %dma_start3A_149[%dma_start3A_150, %dma_start3A_151] : memref<100000x128xf32, #tpu.memory_space<hbm>> -> memref<100000x128xf32, #tpu.memory_space<hbm>>
          tpu.enqueue_indirect_dma source(%dma_start3A_152 : memref<100000x128xf32, #tpu.memory_space<hbm>>) target(%arg12 : memref<64x128xf32, #tpu.memory_space<vmem>>) offsets(%dma_start3A : memref<64xi32, #tpu.memory_space<vmem>>) semaphore(%arg24 : memref<!tpu.dma_semaphore, #tpu.memory_space<semaphore_mem>>)
          %dma_wait3A = tpu.memref_slice %arg9[%mul3A_145] : memref<12672xi32, #tpu.memory_space<vmem>> -> memref<64xi32, #tpu.memory_space<vmem>>
          %dma_wait3A_153 = arith.constant 0 : i32
          %dma_wait3A_154 = arith.constant 0 : i32
          %dma_wait3A_155 = tpu.memref_slice %arg2[%scan3A_71, %dma_wait3A_153, %dma_wait3A_154] : memref<7x100000x128xf32, #tpu.memory_space<hbm>> -> memref<1x100000x128xf32, #tpu.memory_space<hbm>>
          %dma_wait3A_156 = tpu.memref_squeeze %dma_wait3A_155 : memref<1x100000x128xf32, #tpu.memory_space<hbm>> -> memref<100000x128xf32, #tpu.memory_space<hbm>>
          %dma_wait3A_157 = arith.constant 0 : i32
          %dma_wait3A_158 = arith.constant 0 : i32
          %dma_wait3A_159 = tpu.memref_slice %dma_wait3A_156[%dma_wait3A_157, %dma_wait3A_158] : memref<100000x128xf32, #tpu.memory_space<hbm>> -> memref<100000x128xf32, #tpu.memory_space<hbm>>
          tpu.wait_indirect_dma semaphore(%arg24 : memref<!tpu.dma_semaphore, #tpu.memory_space<semaphore_mem>>) src(%dma_wait3A_159 : memref<100000x128xf32, #tpu.memory_space<hbm>>) dst(%arg12 : memref<64x128xf32, #tpu.memory_space<vmem>>)
          %scan3A_160 = arith.constant 0 : i32
          %scan3A_161 = arith.constant 0 : i32
          %scan3A_162 = arith.constant 4 : i32
          %scan3A_163 = arith.addi %scan3A_161, %scan3A_162 : i32
          %scan3A_164 = arith.constant 1 : i32
          %scan3A_165 = scf.for %scan3A_168 = %scan3A_161 to %scan3A_163 step %scan3A_164 iter_args(%scan3A_169 = %scan3A_160) -> (i32)  : i32 {
            %mul3A_170 = arith.constant 16 : i32
            %mul3A_171 = arith.muli %mul3A_170, %scan3A_168 : i32
            %get3A = arith.index_cast %mul3A_171 : i32 to index
            %get3A_172 = tpu.vector_load %arg11[%get3A] {strides = array<i32>} : memref<64xi32, #tpu.memory_space<vmem>>, vector<16xi32>,
            %gather3A = tpu.vector_load_idx %arg14[%get3A_172] : memref<2048xf32, #tpu.memory_space<vmem>>[vector<16xi32>], vector<16xf32>,
            %swap3A = arith.constant 0 : index
            %swap3A_173 = tpu.vector_load %arg16[%swap3A] {strides = array<i32>} : memref<16xf32, #tpu.memory_space<vmem>>, vector<16xf32>,
            tpu.vector_store %arg16[%swap3A], %gather3A {strides = array<i32>} : memref<16xf32, #tpu.memory_space<vmem>>, vector<16xf32>,
            %scan3A_174 = arith.constant 0 : i32
            %scan3A_175 = arith.constant 0 : i32
            %scan3A_176 = arith.constant 16 : i32
            %scan3A_177 = arith.addi %scan3A_175, %scan3A_176 : i32
            %scan3A_178 = arith.constant 1 : i32
            %scan3A_179 = scf.for %scan3A_182 = %scan3A_175 to %scan3A_177 step %scan3A_178 iter_args(%scan3A_183 = %scan3A_174) -> (i32)  : i32 {
              %broadcast_in_dim3A_184 = vector.broadcast %scan3A_182 : i32 to vector<16xi32>
              %gather3A_185 = tpu.vector_load_idx %arg16[%broadcast_in_dim3A_184] : memref<16xf32, #tpu.memory_space<vmem>>[vector<16xi32>], vector<16xf32>,
              %mul3A_186 = arith.constant 16 : i32
              %mul3A_187 = arith.muli %mul3A_186, %scan3A_168 : i32
              %add3A_188 = arith.addi %mul3A_187, %scan3A_182 : i32
              %get3A_189 = arith.index_cast %add3A_188 : i32 to index
              %get3A_190 = arith.constant 0 : index
              %get3A_191 = tpu.vector_load %arg12[%get3A_189, %get3A_190] {strides = array<i32>} : memref<64x128xf32, #tpu.memory_space<vmem>>, vector<16xf32>,
              %mul3A_192 = arith.mulf %get3A_191, %gather3A_185 : vector<16xf32>
              %swap3A_193 = arith.index_cast %add3A_188 : i32 to index
              %swap3A_194 = arith.constant 0 : index
              %swap3A_195 = tpu.vector_load %arg12[%swap3A_193, %swap3A_194] {strides = array<i32>} : memref<64x128xf32, #tpu.memory_space<vmem>>, vector<16xf32>,
              tpu.vector_store %arg12[%swap3A_193, %swap3A_194], %mul3A_192 {strides = array<i32>} : memref<64x128xf32, #tpu.memory_space<vmem>>, vector<16xf32>,
              %get3A_196 = arith.index_cast %add3A_188 : i32 to index
              %get3A_197 = arith.constant 16 : index
              %get3A_198 = tpu.vector_load %arg12[%get3A_196, %get3A_197] {strides = array<i32>} : memref<64x128xf32, #tpu.memory_space<vmem>>, vector<16xf32>,
              %mul3A_199 = arith.mulf %get3A_198, %gather3A_185 : vector<16xf32>
              %swap3A_200 = arith.index_cast %add3A_188 : i32 to index
              %swap3A_201 = arith.constant 16 : index
              %swap3A_202 = tpu.vector_load %arg12[%swap3A_200, %swap3A_201] {strides = array<i32>} : memref<64x128xf32, #tpu.memory_space<vmem>>, vector<16xf32>,
              tpu.vector_store %arg12[%swap3A_200, %swap3A_201], %mul3A_199 {strides = array<i32>} : memref<64x128xf32, #tpu.memory_space<vmem>>, vector<16xf32>,
              %get3A_203 = arith.index_cast %add3A_188 : i32 to index
              %get3A_204 = arith.constant 32 : index
              %get3A_205 = tpu.vector_load %arg12[%get3A_203, %get3A_204] {strides = array<i32>} : memref<64x128xf32, #tpu.memory_space<vmem>>, vector<16xf32>,
              %mul3A_206 = arith.mulf %get3A_205, %gather3A_185 : vector<16xf32>
              %swap3A_207 = arith.index_cast %add3A_188 : i32 to index
              %swap3A_208 = arith.constant 32 : index
              %swap3A_209 = tpu.vector_load %arg12[%swap3A_207, %swap3A_208] {strides = array<i32>} : memref<64x128xf32, #tpu.memory_space<vmem>>, vector<16xf32>,
              tpu.vector_store %arg12[%swap3A_207, %swap3A_208], %mul3A_206 {strides = array<i32>} : memref<64x128xf32, #tpu.memory_space<vmem>>, vector<16xf32>,
              %get3A_210 = arith.index_cast %add3A_188 : i32 to index
              %get3A_211 = arith.constant 48 : index
              %get3A_212 = tpu.vector_load %arg12[%get3A_210, %get3A_211] {strides = array<i32>} : memref<64x128xf32, #tpu.memory_space<vmem>>, vector<16xf32>,
              %mul3A_213 = arith.mulf %get3A_212, %gather3A_185 : vector<16xf32>
              %swap3A_214 = arith.index_cast %add3A_188 : i32 to index
              %swap3A_215 = arith.constant 48 : index
              %swap3A_216 = tpu.vector_load %arg12[%swap3A_214, %swap3A_215] {strides = array<i32>} : memref<64x128xf32, #tpu.memory_space<vmem>>, vector<16xf32>,
              tpu.vector_store %arg12[%swap3A_214, %swap3A_215], %mul3A_213 {strides = array<i32>} : memref<64x128xf32, #tpu.memory_space<vmem>>, vector<16xf32>,
              %get3A_217 = arith.index_cast %add3A_188 : i32 to index
              %get3A_218 = arith.constant 64 : index
              %get3A_219 = tpu.vector_load %arg12[%get3A_217, %get3A_218] {strides = array<i32>} : memref<64x128xf32, #tpu.memory_space<vmem>>, vector<16xf32>,
              %mul3A_220 = arith.mulf %get3A_219, %gather3A_185 : vector<16xf32>
              %swap3A_221 = arith.index_cast %add3A_188 : i32 to index
              %swap3A_222 = arith.constant 64 : index
              %swap3A_223 = tpu.vector_load %arg12[%swap3A_221, %swap3A_222] {strides = array<i32>} : memref<64x128xf32, #tpu.memory_space<vmem>>, vector<16xf32>,
              tpu.vector_store %arg12[%swap3A_221, %swap3A_222], %mul3A_220 {strides = array<i32>} : memref<64x128xf32, #tpu.memory_space<vmem>>, vector<16xf32>,
              %get3A_224 = arith.index_cast %add3A_188 : i32 to index
              %get3A_225 = arith.constant 80 : index
              %get3A_226 = tpu.vector_load %arg12[%get3A_224, %get3A_225] {strides = array<i32>} : memref<64x128xf32, #tpu.memory_space<vmem>>, vector<16xf32>,
              %mul3A_227 = arith.mulf %get3A_226, %gather3A_185 : vector<16xf32>
              %swap3A_228 = arith.index_cast %add3A_188 : i32 to index
              %swap3A_229 = arith.constant 80 : index
              %swap3A_230 = tpu.vector_load %arg12[%swap3A_228, %swap3A_229] {strides = array<i32>} : memref<64x128xf32, #tpu.memory_space<vmem>>, vector<16xf32>,
              tpu.vector_store %arg12[%swap3A_228, %swap3A_229], %mul3A_227 {strides = array<i32>} : memref<64x128xf32, #tpu.memory_space<vmem>>, vector<16xf32>,
              %get3A_231 = arith.index_cast %add3A_188 : i32 to index
              %get3A_232 = arith.constant 96 : index
              %get3A_233 = tpu.vector_load %arg12[%get3A_231, %get3A_232] {strides = array<i32>} : memref<64x128xf32, #tpu.memory_space<vmem>>, vector<16xf32>,
              %mul3A_234 = arith.mulf %get3A_233, %gather3A_185 : vector<16xf32>
              %swap3A_235 = arith.index_cast %add3A_188 : i32 to index
              %swap3A_236 = arith.constant 96 : index
              %swap3A_237 = tpu.vector_load %arg12[%swap3A_235, %swap3A_236] {strides = array<i32>} : memref<64x128xf32, #tpu.memory_space<vmem>>, vector<16xf32>,
              tpu.vector_store %arg12[%swap3A_235, %swap3A_236], %mul3A_234 {strides = array<i32>} : memref<64x128xf32, #tpu.memory_space<vmem>>, vector<16xf32>,
              %get3A_238 = arith.index_cast %add3A_188 : i32 to index
              %get3A_239 = arith.constant 112 : index
              %get3A_240 = tpu.vector_load %arg12[%get3A_238, %get3A_239] {strides = array<i32>} : memref<64x128xf32, #tpu.memory_space<vmem>>, vector<16xf32>,
              %mul3A_241 = arith.mulf %get3A_240, %gather3A_185 : vector<16xf32>
              %swap3A_242 = arith.index_cast %add3A_188 : i32 to index
              %swap3A_243 = arith.constant 112 : index
              %swap3A_244 = tpu.vector_load %arg12[%swap3A_242, %swap3A_243] {strides = array<i32>} : memref<64x128xf32, #tpu.memory_space<vmem>>, vector<16xf32>,
              tpu.vector_store %arg12[%swap3A_242, %swap3A_243], %mul3A_241 {strides = array<i32>} : memref<64x128xf32, #tpu.memory_space<vmem>>, vector<16xf32>,
              %scan3A_245 = arith.constant 0 : i32
              scf.yield %scan3A_245 : i32
            }
            %scan3A_180 = arith.constant 16 : i32
            %scan3A_181 = arith.constant 0 : i32
            scf.yield %scan3A_181 : i32
          }
          %scan3A_166 = arith.constant 4 : i32
          "tpu.region"() ({
            %run_scoped3A = tpu.sem_alloc : memref<!tpu.dma_semaphore, #tpu.memory_space<semaphore_mem>>
            %dma_start3A_168 = arith.constant 0 : i32
            %dma_start3A_169 = arith.constant 0 : i32
            %dma_start3A_170 = tpu.memref_slice %arg22[%dma_start3A_168, %dma_start3A_169] : memref<2048x128xf32, #tpu.memory_space<vmem_shared>> -> memref<2048x128xf32, #tpu.memory_space<vmem_shared>>
            tpu.enqueue_indirect_dma source(%arg12 : memref<64x128xf32, #tpu.memory_space<vmem>>) target(%dma_start3A_170 : memref<2048x128xf32, #tpu.memory_space<vmem_shared>>) offsets(%arg11 : memref<64xi32, #tpu.memory_space<vmem>>) semaphore(%run_scoped3A : memref<!tpu.dma_semaphore, #tpu.memory_space<semaphore_mem>>) {add = true}
            %dma_wait3A_171 = arith.constant 0 : i32
            %dma_wait3A_172 = arith.constant 0 : i32
            %dma_wait3A_173 = tpu.memref_slice %arg22[%dma_wait3A_171, %dma_wait3A_172] : memref<2048x128xf32, #tpu.memory_space<vmem_shared>> -> memref<2048x128xf32, #tpu.memory_space<vmem_shared>>
            tpu.wait_indirect_dma semaphore(%run_scoped3A : memref<!tpu.dma_semaphore, #tpu.memory_space<semaphore_mem>>) src(%arg12 : memref<64x128xf32, #tpu.memory_space<vmem>>) dst(%dma_wait3A_173 : memref<2048x128xf32, #tpu.memory_space<vmem_shared>>)
            tpu.yield
          }) : () -> ()
          %while3A_167 = arith.constant 0 : i32
          scf.yield %while3A_167 : i32
        }
        %while3A_132 = arith.constant 1 : i32
        %while3A_133 = scf.for %while3A_135 = %while3A_129 to %while3A_125 step %while3A_132 iter_args(%while3A_136 = %while3A_131) -> (i32)  : i32 {
          %scan3A_137 = arith.constant 0 : i32
          %scan3A_138 = arith.constant 0 : i32
          %scan3A_139 = arith.constant 4 : i32
          %scan3A_140 = arith.addi %scan3A_138, %scan3A_139 : i32
          %scan3A_141 = arith.constant 1 : i32
          %scan3A_142 = scf.for %scan3A_168 = %scan3A_138 to %scan3A_140 step %scan3A_141 iter_args(%scan3A_169 = %scan3A_137) -> (i32)  : i32 {
            %mul3A_170 = arith.constant 64 : i32
            %mul3A_171 = arith.muli %while3A_135, %mul3A_170 : i32
            %mul3A_172 = arith.constant 16 : i32
            %mul3A_173 = arith.muli %mul3A_172, %scan3A_168 : i32
            %add3A_174 = arith.addi %mul3A_171, %mul3A_173 : i32
            %get3A = arith.index_cast %add3A_174 : i32 to index
            %get3A_175 = tpu.vector_load %arg10[%get3A] {strides = array<i32>} : memref<12672xi32, #tpu.memory_space<vmem>>, vector<16xi32>,
            %mul3A_176 = arith.constant 16 : i32
            %mul3A_177 = arith.muli %mul3A_176, %scan3A_168 : i32
            %swap3A = arith.index_cast %mul3A_177 : i32 to index
            %swap3A_178 = tpu.vector_load %arg11[%swap3A] {strides = array<i32>} : memref<64xi32, #tpu.memory_space<vmem>>, vector<16xi32>,
            tpu.vector_store %arg11[%swap3A], %get3A_175 {strides = array<i32>} : memref<64xi32, #tpu.memory_space<vmem>>, vector<16xi32>,
            %scan3A_179 = arith.constant 0 : i32
            scf.yield %scan3A_179 : i32
          }
          %scan3A_143 = arith.constant 4 : i32
          %mul3A_144 = arith.constant 64 : i32
          %mul3A_145 = arith.muli %while3A_135, %mul3A_144 : i32
          %dma_start3A = tpu.memref_slice %arg9[%mul3A_145] : memref<12672xi32, #tpu.memory_space<vmem>> -> memref<64xi32, #tpu.memory_space<vmem>>
          %dma_start3A_146 = arith.constant 0 : i32
          %dma_start3A_147 = arith.constant 0 : i32
          %dma_start3A_148 = tpu.memref_slice %arg2[%scan3A_71, %dma_start3A_146, %dma_start3A_147] : memref<7x100000x128xf32, #tpu.memory_space<hbm>> -> memref<1x100000x128xf32, #tpu.memory_space<hbm>>
          %dma_start3A_149 = tpu.memref_squeeze %dma_start3A_148 : memref<1x100000x128xf32, #tpu.memory_space<hbm>> -> memref<100000x128xf32, #tpu.memory_space<hbm>>
          %dma_start3A_150 = arith.constant 0 : i32
          %dma_start3A_151 = arith.constant 0 : i32
          %dma_start3A_152 = tpu.memref_slice %dma_start3A_149[%dma_start3A_150, %dma_start3A_151] : memref<100000x128xf32, #tpu.memory_space<hbm>> -> memref<100000x128xf32, #tpu.memory_space<hbm>>
          tpu.enqueue_indirect_dma source(%dma_start3A_152 : memref<100000x128xf32, #tpu.memory_space<hbm>>) target(%arg12 : memref<64x128xf32, #tpu.memory_space<vmem>>) offsets(%dma_start3A : memref<64xi32, #tpu.memory_space<vmem>>) semaphore(%arg24 : memref<!tpu.dma_semaphore, #tpu.memory_space<semaphore_mem>>)
          %dma_wait3A = tpu.memref_slice %arg9[%mul3A_145] : memref<12672xi32, #tpu.memory_space<vmem>> -> memref<64xi32, #tpu.memory_space<vmem>>
          %dma_wait3A_153 = arith.constant 0 : i32
          %dma_wait3A_154 = arith.constant 0 : i32
          %dma_wait3A_155 = tpu.memref_slice %arg2[%scan3A_71, %dma_wait3A_153, %dma_wait3A_154] : memref<7x100000x128xf32, #tpu.memory_space<hbm>> -> memref<1x100000x128xf32, #tpu.memory_space<hbm>>
          %dma_wait3A_156 = tpu.memref_squeeze %dma_wait3A_155 : memref<1x100000x128xf32, #tpu.memory_space<hbm>> -> memref<100000x128xf32, #tpu.memory_space<hbm>>
          %dma_wait3A_157 = arith.constant 0 : i32
          %dma_wait3A_158 = arith.constant 0 : i32
          %dma_wait3A_159 = tpu.memref_slice %dma_wait3A_156[%dma_wait3A_157, %dma_wait3A_158] : memref<100000x128xf32, #tpu.memory_space<hbm>> -> memref<100000x128xf32, #tpu.memory_space<hbm>>
          tpu.wait_indirect_dma semaphore(%arg24 : memref<!tpu.dma_semaphore, #tpu.memory_space<semaphore_mem>>) src(%dma_wait3A_159 : memref<100000x128xf32, #tpu.memory_space<hbm>>) dst(%arg12 : memref<64x128xf32, #tpu.memory_space<vmem>>)
          %scan3A_160 = arith.constant 0 : i32
          %scan3A_161 = arith.constant 0 : i32
          %scan3A_162 = arith.constant 4 : i32
          %scan3A_163 = arith.addi %scan3A_161, %scan3A_162 : i32
          %scan3A_164 = arith.constant 1 : i32
          %scan3A_165 = scf.for %scan3A_168 = %scan3A_161 to %scan3A_163 step %scan3A_164 iter_args(%scan3A_169 = %scan3A_160) -> (i32)  : i32 {
            %mul3A_170 = arith.constant 16 : i32
            %mul3A_171 = arith.muli %mul3A_170, %scan3A_168 : i32
            %get3A = arith.index_cast %mul3A_171 : i32 to index
            %get3A_172 = tpu.vector_load %arg11[%get3A] {strides = array<i32>} : memref<64xi32, #tpu.memory_space<vmem>>, vector<16xi32>,
            %gather3A = tpu.vector_load_idx %arg14[%get3A_172] : memref<2048xf32, #tpu.memory_space<vmem>>[vector<16xi32>], vector<16xf32>,
            %swap3A = arith.constant 0 : index
            %swap3A_173 = tpu.vector_load %arg16[%swap3A] {strides = array<i32>} : memref<16xf32, #tpu.memory_space<vmem>>, vector<16xf32>,
            tpu.vector_store %arg16[%swap3A], %gather3A {strides = array<i32>} : memref<16xf32, #tpu.memory_space<vmem>>, vector<16xf32>,
            %scan3A_174 = arith.constant 0 : i32
            %scan3A_175 = arith.constant 0 : i32
            %scan3A_176 = arith.constant 16 : i32
            %scan3A_177 = arith.addi %scan3A_175, %scan3A_176 : i32
            %scan3A_178 = arith.constant 1 : i32
            %scan3A_179 = scf.for %scan3A_182 = %scan3A_175 to %scan3A_177 step %scan3A_178 iter_args(%scan3A_183 = %scan3A_174) -> (i32)  : i32 {
              %broadcast_in_dim3A_184 = vector.broadcast %scan3A_182 : i32 to vector<16xi32>
              %gather3A_185 = tpu.vector_load_idx %arg16[%broadcast_in_dim3A_184] : memref<16xf32, #tpu.memory_space<vmem>>[vector<16xi32>], vector<16xf32>,
              %mul3A_186 = arith.constant 16 : i32
              %mul3A_187 = arith.muli %mul3A_186, %scan3A_168 : i32
              %add3A_188 = arith.addi %mul3A_187, %scan3A_182 : i32
              %get3A_189 = arith.index_cast %add3A_188 : i32 to index
              %get3A_190 = arith.constant 0 : index
              %get3A_191 = tpu.vector_load %arg12[%get3A_189, %get3A_190] {strides = array<i32>} : memref<64x128xf32, #tpu.memory_space<vmem>>, vector<16xf32>,
              %mul3A_192 = arith.mulf %get3A_191, %gather3A_185 : vector<16xf32>
              %swap3A_193 = arith.index_cast %add3A_188 : i32 to index
              %swap3A_194 = arith.constant 0 : index
              %swap3A_195 = tpu.vector_load %arg12[%swap3A_193, %swap3A_194] {strides = array<i32>} : memref<64x128xf32, #tpu.memory_space<vmem>>, vector<16xf32>,
              tpu.vector_store %arg12[%swap3A_193, %swap3A_194], %mul3A_192 {strides = array<i32>} : memref<64x128xf32, #tpu.memory_space<vmem>>, vector<16xf32>,
              %get3A_196 = arith.index_cast %add3A_188 : i32 to index
              %get3A_197 = arith.constant 16 : index
              %get3A_198 = tpu.vector_load %arg12[%get3A_196, %get3A_197] {strides = array<i32>} : memref<64x128xf32, #tpu.memory_space<vmem>>, vector<16xf32>,
              %mul3A_199 = arith.mulf %get3A_198, %gather3A_185 : vector<16xf32>
              %swap3A_200 = arith.index_cast %add3A_188 : i32 to index
              %swap3A_201 = arith.constant 16 : index
              %swap3A_202 = tpu.vector_load %arg12[%swap3A_200, %swap3A_201] {strides = array<i32>} : memref<64x128xf32, #tpu.memory_space<vmem>>, vector<16xf32>,
              tpu.vector_store %arg12[%swap3A_200, %swap3A_201], %mul3A_199 {strides = array<i32>} : memref<64x128xf32, #tpu.memory_space<vmem>>, vector<16xf32>,
              %get3A_203 = arith.index_cast %add3A_188 : i32 to index
              %get3A_204 = arith.constant 32 : index
              %get3A_205 = tpu.vector_load %arg12[%get3A_203, %get3A_204] {strides = array<i32>} : memref<64x128xf32, #tpu.memory_space<vmem>>, vector<16xf32>,
              %mul3A_206 = arith.mulf %get3A_205, %gather3A_185 : vector<16xf32>
              %swap3A_207 = arith.index_cast %add3A_188 : i32 to index
              %swap3A_208 = arith.constant 32 : index
              %swap3A_209 = tpu.vector_load %arg12[%swap3A_207, %swap3A_208] {strides = array<i32>} : memref<64x128xf32, #tpu.memory_space<vmem>>, vector<16xf32>,
              tpu.vector_store %arg12[%swap3A_207, %swap3A_208], %mul3A_206 {strides = array<i32>} : memref<64x128xf32, #tpu.memory_space<vmem>>, vector<16xf32>,
              %get3A_210 = arith.index_cast %add3A_188 : i32 to index
              %get3A_211 = arith.constant 48 : index
              %get3A_212 = tpu.vector_load %arg12[%get3A_210, %get3A_211] {strides = array<i32>} : memref<64x128xf32, #tpu.memory_space<vmem>>, vector<16xf32>,
              %mul3A_213 = arith.mulf %get3A_212, %gather3A_185 : vector<16xf32>
              %swap3A_214 = arith.index_cast %add3A_188 : i32 to index
              %swap3A_215 = arith.constant 48 : index
              %swap3A_216 = tpu.vector_load %arg12[%swap3A_214, %swap3A_215] {strides = array<i32>} : memref<64x128xf32, #tpu.memory_space<vmem>>, vector<16xf32>,
              tpu.vector_store %arg12[%swap3A_214, %swap3A_215], %mul3A_213 {strides = array<i32>} : memref<64x128xf32, #tpu.memory_space<vmem>>, vector<16xf32>,
              %get3A_217 = arith.index_cast %add3A_188 : i32 to index
              %get3A_218 = arith.constant 64 : index
              %get3A_219 = tpu.vector_load %arg12[%get3A_217, %get3A_218] {strides = array<i32>} : memref<64x128xf32, #tpu.memory_space<vmem>>, vector<16xf32>,
              %mul3A_220 = arith.mulf %get3A_219, %gather3A_185 : vector<16xf32>
              %swap3A_221 = arith.index_cast %add3A_188 : i32 to index
              %swap3A_222 = arith.constant 64 : index
              %swap3A_223 = tpu.vector_load %arg12[%swap3A_221, %swap3A_222] {strides = array<i32>} : memref<64x128xf32, #tpu.memory_space<vmem>>, vector<16xf32>,
              tpu.vector_store %arg12[%swap3A_221, %swap3A_222], %mul3A_220 {strides = array<i32>} : memref<64x128xf32, #tpu.memory_space<vmem>>, vector<16xf32>,
              %get3A_224 = arith.index_cast %add3A_188 : i32 to index
              %get3A_225 = arith.constant 80 : index
              %get3A_226 = tpu.vector_load %arg12[%get3A_224, %get3A_225] {strides = array<i32>} : memref<64x128xf32, #tpu.memory_space<vmem>>, vector<16xf32>,
              %mul3A_227 = arith.mulf %get3A_226, %gather3A_185 : vector<16xf32>
              %swap3A_228 = arith.index_cast %add3A_188 : i32 to index
              %swap3A_229 = arith.constant 80 : index
              %swap3A_230 = tpu.vector_load %arg12[%swap3A_228, %swap3A_229] {strides = array<i32>} : memref<64x128xf32, #tpu.memory_space<vmem>>, vector<16xf32>,
              tpu.vector_store %arg12[%swap3A_228, %swap3A_229], %mul3A_227 {strides = array<i32>} : memref<64x128xf32, #tpu.memory_space<vmem>>, vector<16xf32>,
              %get3A_231 = arith.index_cast %add3A_188 : i32 to index
              %get3A_232 = arith.constant 96 : index
              %get3A_233 = tpu.vector_load %arg12[%get3A_231, %get3A_232] {strides = array<i32>} : memref<64x128xf32, #tpu.memory_space<vmem>>, vector<16xf32>,
              %mul3A_234 = arith.mulf %get3A_233, %gather3A_185 : vector<16xf32>
              %swap3A_235 = arith.index_cast %add3A_188 : i32 to index
              %swap3A_236 = arith.constant 96 : index
              %swap3A_237 = tpu.vector_load %arg12[%swap3A_235, %swap3A_236] {strides = array<i32>} : memref<64x128xf32, #tpu.memory_space<vmem>>, vector<16xf32>,
              tpu.vector_store %arg12[%swap3A_235, %swap3A_236], %mul3A_234 {strides = array<i32>} : memref<64x128xf32, #tpu.memory_space<vmem>>, vector<16xf32>,
              %get3A_238 = arith.index_cast %add3A_188 : i32 to index
              %get3A_239 = arith.constant 112 : index
              %get3A_240 = tpu.vector_load %arg12[%get3A_238, %get3A_239] {strides = array<i32>} : memref<64x128xf32, #tpu.memory_space<vmem>>, vector<16xf32>,
              %mul3A_241 = arith.mulf %get3A_240, %gather3A_185 : vector<16xf32>
              %swap3A_242 = arith.index_cast %add3A_188 : i32 to index
              %swap3A_243 = arith.constant 112 : index
              %swap3A_244 = tpu.vector_load %arg12[%swap3A_242, %swap3A_243] {strides = array<i32>} : memref<64x128xf32, #tpu.memory_space<vmem>>, vector<16xf32>,
              tpu.vector_store %arg12[%swap3A_242, %swap3A_243], %mul3A_241 {strides = array<i32>} : memref<64x128xf32, #tpu.memory_space<vmem>>, vector<16xf32>,
              %scan3A_245 = arith.constant 0 : i32
              scf.yield %scan3A_245 : i32
            }
            %scan3A_180 = arith.constant 16 : i32
            %scan3A_181 = arith.constant 0 : i32
            scf.yield %scan3A_181 : i32
          }
          %scan3A_166 = arith.constant 4 : i32
          "tpu.region"() ({
            %run_scoped3A = tpu.sem_alloc : memref<!tpu.dma_semaphore, #tpu.memory_space<semaphore_mem>>
            %dma_start3A_168 = arith.constant 0 : i32
            %dma_start3A_169 = arith.constant 0 : i32
            %dma_start3A_170 = tpu.memref_slice %arg22[%dma_start3A_168, %dma_start3A_169] : memref<2048x128xf32, #tpu.memory_space<vmem_shared>> -> memref<2048x128xf32, #tpu.memory_space<vmem_shared>>
            tpu.enqueue_indirect_dma source(%arg12 : memref<64x128xf32, #tpu.memory_space<vmem>>) target(%dma_start3A_170 : memref<2048x128xf32, #tpu.memory_space<vmem_shared>>) offsets(%arg11 : memref<64xi32, #tpu.memory_space<vmem>>) semaphore(%run_scoped3A : memref<!tpu.dma_semaphore, #tpu.memory_space<semaphore_mem>>) {add = true}
            %dma_wait3A_171 = arith.constant 0 : i32
            %dma_wait3A_172 = arith.constant 0 : i32
            %dma_wait3A_173 = tpu.memref_slice %arg22[%dma_wait3A_171, %dma_wait3A_172] : memref<2048x128xf32, #tpu.memory_space<vmem_shared>> -> memref<2048x128xf32, #tpu.memory_space<vmem_shared>>
            tpu.wait_indirect_dma semaphore(%run_scoped3A : memref<!tpu.dma_semaphore, #tpu.memory_space<semaphore_mem>>) src(%arg12 : memref<64x128xf32, #tpu.memory_space<vmem>>) dst(%dma_wait3A_173 : memref<2048x128xf32, #tpu.memory_space<vmem_shared>>)
            tpu.yield
          }) : () -> ()
          %while3A_167 = arith.constant 0 : i32
          scf.yield %while3A_167 : i32
        }
        %barrier3A_134 = arith.constant 0 : index
        tpu.barrier barrier_id(%barrier3A_134)
      }
      %scan3A_60 = arith.constant 7 : i32
      %barrier3A_61 = arith.constant 0 : index
      tpu.barrier barrier_id(%barrier3A_61)
      %scan3A_62 = arith.constant 0 : i32
      %scan3A_63 = arith.constant 0 : i32
      %scan3A_64 = arith.constant 8 : i32
      %scan3A_65 = arith.addi %scan3A_63, %scan3A_64 : i32
      %scan3A_66 = arith.constant 1 : i32
      %scan3A_67 = scf.for %scan3A_71 = %scan3A_63 to %scan3A_65 step %scan3A_66 iter_args(%scan3A_72 = %scan3A_62) -> (i32)  : i32 {
        %mul3A_73 = arith.constant 16 : i32
        %mul3A_74 = arith.muli %mul3A_73, %scan3A_71 : i32
        %add3A_75 = arith.addi %arg1, %mul3A_74 : i32
        %lt3A = arith.constant 125 : i32
        %lt3A_76 = arith.cmpi slt, %add3A_75, %lt3A : i32
        %convert_element_type3A = arith.extui %lt3A_76 : i1 to i32
        %cond3A = arith.constant 0 : i32
        %cond3A_77 = arith.cmpi ne, %convert_element_type3A, %cond3A : i32
        scf.if %cond3A_77 {
          %mul3A_79 = arith.constant 16 : i32
          %mul3A_80 = arith.muli %add3A_75, %mul3A_79 : i32
          "tpu.region"() ({
            %run_scoped3A = tpu.sem_alloc : memref<!tpu.dma_semaphore, #tpu.memory_space<semaphore_mem>>
            %dma_start3A = arith.constant 0 : i32
            %dma_start3A_89 = tpu.memref_slice %arg22[%mul3A_80, %dma_start3A] : memref<2048x128xf32, #tpu.memory_space<vmem_shared>> -> memref<16x128xf32, #tpu.memory_space<vmem_shared>>
            %dma_start3A_90 = arith.constant 0 : i32
            %dma_start3A_91 = tpu.memref_slice %arg22[%mul3A_80, %dma_start3A_90] : memref<2048x128xf32, #tpu.memory_space<vmem_shared>> -> memref<16x128xf32, #tpu.memory_space<vmem_shared>>
            tpu.enqueue_dma source(%dma_start3A_91 : memref<16x128xf32, #tpu.memory_space<vmem_shared>>) target(%arg21 : memref<16x128xf32, #tpu.memory_space<vmem>>) target_semaphore(%run_scoped3A : memref<!tpu.dma_semaphore, #tpu.memory_space<semaphore_mem>>)
            %dma_wait3A = arith.constant 0 : i32
            %dma_wait3A_92 = tpu.memref_slice %arg22[%mul3A_80, %dma_wait3A] : memref<2048x128xf32, #tpu.memory_space<vmem_shared>> -> memref<16x128xf32, #tpu.memory_space<vmem_shared>>
            %dma_wait3A_93 = arith.constant 0 : i32
            %dma_wait3A_94 = tpu.memref_slice %arg22[%mul3A_80, %dma_wait3A_93] : memref<2048x128xf32, #tpu.memory_space<vmem_shared>> -> memref<16x128xf32, #tpu.memory_space<vmem_shared>>
            tpu.wait_dma2 semaphore(%run_scoped3A : memref<!tpu.dma_semaphore, #tpu.memory_space<semaphore_mem>>) src(%dma_wait3A_94 : memref<16x128xf32, #tpu.memory_space<vmem_shared>>) dst(%arg21 : memref<16x128xf32, #tpu.memory_space<vmem>>)
            tpu.yield
          }) : () -> ()
          %scan3A_81 = arith.constant 0 : i32
          %scan3A_82 = arith.constant 0 : i32
          %scan3A_83 = arith.constant 16 : i32
          %scan3A_84 = arith.addi %scan3A_82, %scan3A_83 : i32
          %scan3A_85 = arith.constant 1 : i32
          %scan3A_86 = scf.for %scan3A_89 = %scan3A_82 to %scan3A_84 step %scan3A_85 iter_args(%scan3A_90 = %scan3A_81) -> (i32)  : i32 {
            %get3A = arith.index_cast %scan3A_89 : i32 to index
            %get3A_91 = arith.constant 0 : index
            %get3A_92 = tpu.vector_load %arg21[%get3A, %get3A_91] {strides = array<i32>} : memref<16x128xf32, #tpu.memory_space<vmem>>, vector<16xf32>,
            %get3A_93 = arith.constant 0 : index
            %get3A_94 = tpu.vector_load %arg20[%get3A_93] {strides = array<i32>} : memref<128xf32, #tpu.memory_space<vmem>>, vector<16xf32>,
            %add3A_95 = arith.addf %get3A_92, %get3A_94 : vector<16xf32>
            %swap3A = arith.index_cast %scan3A_89 : i32 to index
            %swap3A_96 = arith.constant 0 : index
            %swap3A_97 = tpu.vector_load %arg21[%swap3A, %swap3A_96] {strides = array<i32>} : memref<16x128xf32, #tpu.memory_space<vmem>>, vector<16xf32>,
            tpu.vector_store %arg21[%swap3A, %swap3A_96], %add3A_95 {strides = array<i32>} : memref<16x128xf32, #tpu.memory_space<vmem>>, vector<16xf32>,
            %get3A_98 = arith.index_cast %scan3A_89 : i32 to index
            %get3A_99 = arith.constant 16 : index
            %get3A_100 = tpu.vector_load %arg21[%get3A_98, %get3A_99] {strides = array<i32>} : memref<16x128xf32, #tpu.memory_space<vmem>>, vector<16xf32>,
            %get3A_101 = arith.constant 16 : index
            %get3A_102 = tpu.vector_load %arg20[%get3A_101] {strides = array<i32>} : memref<128xf32, #tpu.memory_space<vmem>>, vector<16xf32>,
            %add3A_103 = arith.addf %get3A_100, %get3A_102 : vector<16xf32>
            %swap3A_104 = arith.index_cast %scan3A_89 : i32 to index
            %swap3A_105 = arith.constant 16 : index
            %swap3A_106 = tpu.vector_load %arg21[%swap3A_104, %swap3A_105] {strides = array<i32>} : memref<16x128xf32, #tpu.memory_space<vmem>>, vector<16xf32>,
            tpu.vector_store %arg21[%swap3A_104, %swap3A_105], %add3A_103 {strides = array<i32>} : memref<16x128xf32, #tpu.memory_space<vmem>>, vector<16xf32>,
            %get3A_107 = arith.index_cast %scan3A_89 : i32 to index
            %get3A_108 = arith.constant 32 : index
            %get3A_109 = tpu.vector_load %arg21[%get3A_107, %get3A_108] {strides = array<i32>} : memref<16x128xf32, #tpu.memory_space<vmem>>, vector<16xf32>,
            %get3A_110 = arith.constant 32 : index
            %get3A_111 = tpu.vector_load %arg20[%get3A_110] {strides = array<i32>} : memref<128xf32, #tpu.memory_space<vmem>>, vector<16xf32>,
            %add3A_112 = arith.addf %get3A_109, %get3A_111 : vector<16xf32>
            %swap3A_113 = arith.index_cast %scan3A_89 : i32 to index
            %swap3A_114 = arith.constant 32 : index
            %swap3A_115 = tpu.vector_load %arg21[%swap3A_113, %swap3A_114] {strides = array<i32>} : memref<16x128xf32, #tpu.memory_space<vmem>>, vector<16xf32>,
            tpu.vector_store %arg21[%swap3A_113, %swap3A_114], %add3A_112 {strides = array<i32>} : memref<16x128xf32, #tpu.memory_space<vmem>>, vector<16xf32>,
            %get3A_116 = arith.index_cast %scan3A_89 : i32 to index
            %get3A_117 = arith.constant 48 : index
            %get3A_118 = tpu.vector_load %arg21[%get3A_116, %get3A_117] {strides = array<i32>} : memref<16x128xf32, #tpu.memory_space<vmem>>, vector<16xf32>,
            %get3A_119 = arith.constant 48 : index
            %get3A_120 = tpu.vector_load %arg20[%get3A_119] {strides = array<i32>} : memref<128xf32, #tpu.memory_space<vmem>>, vector<16xf32>,
            %add3A_121 = arith.addf %get3A_118, %get3A_120 : vector<16xf32>
            %swap3A_122 = arith.index_cast %scan3A_89 : i32 to index
            %swap3A_123 = arith.constant 48 : index
            %swap3A_124 = tpu.vector_load %arg21[%swap3A_122, %swap3A_123] {strides = array<i32>} : memref<16x128xf32, #tpu.memory_space<vmem>>, vector<16xf32>,
            tpu.vector_store %arg21[%swap3A_122, %swap3A_123], %add3A_121 {strides = array<i32>} : memref<16x128xf32, #tpu.memory_space<vmem>>, vector<16xf32>,
            %get3A_125 = arith.index_cast %scan3A_89 : i32 to index
            %get3A_126 = arith.constant 64 : index
            %get3A_127 = tpu.vector_load %arg21[%get3A_125, %get3A_126] {strides = array<i32>} : memref<16x128xf32, #tpu.memory_space<vmem>>, vector<16xf32>,
            %get3A_128 = arith.constant 64 : index
            %get3A_129 = tpu.vector_load %arg20[%get3A_128] {strides = array<i32>} : memref<128xf32, #tpu.memory_space<vmem>>, vector<16xf32>,
            %add3A_130 = arith.addf %get3A_127, %get3A_129 : vector<16xf32>
            %swap3A_131 = arith.index_cast %scan3A_89 : i32 to index
            %swap3A_132 = arith.constant 64 : index
            %swap3A_133 = tpu.vector_load %arg21[%swap3A_131, %swap3A_132] {strides = array<i32>} : memref<16x128xf32, #tpu.memory_space<vmem>>, vector<16xf32>,
            tpu.vector_store %arg21[%swap3A_131, %swap3A_132], %add3A_130 {strides = array<i32>} : memref<16x128xf32, #tpu.memory_space<vmem>>, vector<16xf32>,
            %get3A_134 = arith.index_cast %scan3A_89 : i32 to index
            %get3A_135 = arith.constant 80 : index
            %get3A_136 = tpu.vector_load %arg21[%get3A_134, %get3A_135] {strides = array<i32>} : memref<16x128xf32, #tpu.memory_space<vmem>>, vector<16xf32>,
            %get3A_137 = arith.constant 80 : index
            %get3A_138 = tpu.vector_load %arg20[%get3A_137] {strides = array<i32>} : memref<128xf32, #tpu.memory_space<vmem>>, vector<16xf32>,
            %add3A_139 = arith.addf %get3A_136, %get3A_138 : vector<16xf32>
            %swap3A_140 = arith.index_cast %scan3A_89 : i32 to index
            %swap3A_141 = arith.constant 80 : index
            %swap3A_142 = tpu.vector_load %arg21[%swap3A_140, %swap3A_141] {strides = array<i32>} : memref<16x128xf32, #tpu.memory_space<vmem>>, vector<16xf32>,
            tpu.vector_store %arg21[%swap3A_140, %swap3A_141], %add3A_139 {strides = array<i32>} : memref<16x128xf32, #tpu.memory_space<vmem>>, vector<16xf32>,
            %get3A_143 = arith.index_cast %scan3A_89 : i32 to index
            %get3A_144 = arith.constant 96 : index
            %get3A_145 = tpu.vector_load %arg21[%get3A_143, %get3A_144] {strides = array<i32>} : memref<16x128xf32, #tpu.memory_space<vmem>>, vector<16xf32>,
            %get3A_146 = arith.constant 96 : index
            %get3A_147 = tpu.vector_load %arg20[%get3A_146] {strides = array<i32>} : memref<128xf32, #tpu.memory_space<vmem>>, vector<16xf32>,
            %add3A_148 = arith.addf %get3A_145, %get3A_147 : vector<16xf32>
            %swap3A_149 = arith.index_cast %scan3A_89 : i32 to index
            %swap3A_150 = arith.constant 96 : index
            %swap3A_151 = tpu.vector_load %arg21[%swap3A_149, %swap3A_150] {strides = array<i32>} : memref<16x128xf32, #tpu.memory_space<vmem>>, vector<16xf32>,
            tpu.vector_store %arg21[%swap3A_149, %swap3A_150], %add3A_148 {strides = array<i32>} : memref<16x128xf32, #tpu.memory_space<vmem>>, vector<16xf32>,
            %get3A_152 = arith.index_cast %scan3A_89 : i32 to index
            %get3A_153 = arith.constant 112 : index
            %get3A_154 = tpu.vector_load %arg21[%get3A_152, %get3A_153] {strides = array<i32>} : memref<16x128xf32, #tpu.memory_space<vmem>>, vector<16xf32>,
            %get3A_155 = arith.constant 112 : index
            %get3A_156 = tpu.vector_load %arg20[%get3A_155] {strides = array<i32>} : memref<128xf32, #tpu.memory_space<vmem>>, vector<16xf32>,
            %add3A_157 = arith.addf %get3A_154, %get3A_156 : vector<16xf32>
            %swap3A_158 = arith.index_cast %scan3A_89 : i32 to index
            %swap3A_159 = arith.constant 112 : index
            %swap3A_160 = tpu.vector_load %arg21[%swap3A_158, %swap3A_159] {strides = array<i32>} : memref<16x128xf32, #tpu.memory_space<vmem>>, vector<16xf32>,
            tpu.vector_store %arg21[%swap3A_158, %swap3A_159], %add3A_157 {strides = array<i32>} : memref<16x128xf32, #tpu.memory_space<vmem>>, vector<16xf32>,
            %scan3A_161 = arith.constant 0 : i32
            scf.yield %scan3A_161 : i32
          }
          %scan3A_87 = arith.constant 16 : i32
          %add3A_88 = arith.addi %add3A, %mul3A_80 : i32
          "tpu.region"() ({
            %run_scoped3A = tpu.sem_alloc : memref<!tpu.dma_semaphore, #tpu.memory_space<semaphore_mem>>
            %dma_start3A = arith.constant 0 : i32
            %dma_start3A_89 = tpu.memref_slice %arg6[%add3A_88, %dma_start3A] : memref<100000x128xf32, #tpu.memory_space<hbm>> -> memref<16x128xf32, #tpu.memory_space<hbm>>
            %dma_start3A_90 = arith.constant 0 : i32
            %dma_start3A_91 = tpu.memref_slice %arg6[%add3A_88, %dma_start3A_90] : memref<100000x128xf32, #tpu.memory_space<hbm>> -> memref<16x128xf32, #tpu.memory_space<hbm>>
            tpu.enqueue_dma source(%arg21 : memref<16x128xf32, #tpu.memory_space<vmem>>) target(%dma_start3A_91 : memref<16x128xf32, #tpu.memory_space<hbm>>) target_semaphore(%run_scoped3A : memref<!tpu.dma_semaphore, #tpu.memory_space<semaphore_mem>>)
            %dma_wait3A = arith.constant 0 : i32
            %dma_wait3A_92 = tpu.memref_slice %arg6[%add3A_88, %dma_wait3A] : memref<100000x128xf32, #tpu.memory_space<hbm>> -> memref<16x128xf32, #tpu.memory_space<hbm>>
            %dma_wait3A_93 = arith.constant 0 : i32
            %dma_wait3A_94 = tpu.memref_slice %arg6[%add3A_88, %dma_wait3A_93] : memref<100000x128xf32, #tpu.memory_space<hbm>> -> memref<16x128xf32, #tpu.memory_space<hbm>>
            tpu.wait_dma2 semaphore(%run_scoped3A : memref<!tpu.dma_semaphore, #tpu.memory_space<semaphore_mem>>) src(%arg21 : memref<16x128xf32, #tpu.memory_space<vmem>>) dst(%dma_wait3A_94 : memref<16x128xf32, #tpu.memory_space<hbm>>)
            tpu.yield
          }) : () -> ()
        } else {
        }
        %scan3A_78 = arith.constant 0 : i32
        scf.yield %scan3A_78 : i32
      }
      %scan3A_68 = arith.constant 8 : i32
      %barrier3A_69 = arith.constant 0 : index
      tpu.barrier barrier_id(%barrier3A_69)
      %scan3A_70 = arith.constant 0 : i32
      scf.yield %scan3A_70 : i32
    }
    %scan3A_41 = arith.constant 25 : i32
    return
  }
}

module attributes {stable_mosaic.version = 14 : i64} {
  func.func @body(%arg0: i32, %arg1: i32, %arg2: memref<400x128xf32, #tpu.memory_space<vmem>>, %arg3: memref<1x128x128xf32, #tpu.memory_space<vmem>>, %arg4: memref<1x400x128xf32, #tpu.memory_space<vmem>>) attributes {dimension_semantics = [#tpu.dimension_semantics<arbitrary>, #tpu.dimension_semantics<arbitrary>], iteration_bounds = array<i64: 250, 7>, scalar_prefetch = 0 : i64, scratch_operands = 0 : i64, tpu.core_type = #tpu.core_type<tc>, window_params = [{transform_indices = @transform_0, window_bounds = array<i64: 400, 128>}, {transform_indices = @transform_1, window_bounds = array<i64: 1, 128, 128>}, {transform_indices = @transform_2, window_bounds = array<i64: 1, 400, 128>}]} {
    %get3A = arith.constant 0 : index
    %get3A_0 = arith.constant 0 : index
    %get3A_1 = vector.load %arg2[%get3A, %get3A_0] : memref<400x128xf32, #tpu.memory_space<vmem>>, vector<400x128xf32>
    %get3A_2 = arith.constant 0 : index
    %get3A_3 = arith.constant 0 : index
    %get3A_4 = arith.constant 0 : index
    %get3A_5 = vector.load %arg3[%get3A_2, %get3A_3, %get3A_4] : memref<1x128x128xf32, #tpu.memory_space<vmem>>, vector<1x128x128xf32>
    %get3A_6 = vector.shape_cast %get3A_5 : vector<1x128x128xf32> to vector<128x128xf32>
    %dot_general3A = arith.constant dense<0.000000e+00> : vector<400x128xf32>
    %dot_general3A_7 = tpu.matmul %get3A_1, %get3A_6, %dot_general3A {dimension_numbers = #tpu.dot_dimension_numbers<[1], [0], [0], [1], [0, 0, 1, 1], [], []>, transpose_lhs_hint = false} : vector<400x128xf32>, vector<128x128xf32>, vector<400x128xf32> -> vector<400x128xf32>
    %swap3A = arith.constant 0 : index
    %swap3A_8 = arith.constant 0 : index
    %swap3A_9 = arith.constant 0 : index
    %swap3A_10 = vector.load %arg4[%swap3A, %swap3A_8, %swap3A_9] : memref<1x400x128xf32, #tpu.memory_space<vmem>>, vector<1x400x128xf32>
    %swap3A_11 = vector.shape_cast %swap3A_10 : vector<1x400x128xf32> to vector<400x128xf32>
    %swap3A_12 = vector.shape_cast %dot_general3A_7 : vector<400x128xf32> to vector<1x400x128xf32>
    tpu.vector_store %arg4[%swap3A, %swap3A_8, %swap3A_9], %swap3A_12 {strides = array<i32>} : memref<1x400x128xf32, #tpu.memory_space<vmem>>, vector<1x400x128xf32>,
    return
  }
  func.func @transform_0(%arg0: i32, %arg1: i32) -> (i32, i32) {
    %c0_i32 = arith.constant 0 : i32
    %c0_i32_0 = arith.constant 0 : i32
    return %arg0, %c0_i32 : i32, i32
  }
  func.func @transform_1(%arg0: i32, %arg1: i32) -> (i32, i32, i32) {
    %c0_i32 = arith.constant 0 : i32
    %c0_i32_0 = arith.constant 0 : i32
    %c0_i32_1 = arith.constant 0 : i32
    return %arg1, %c0_i32, %c0_i32_0 : i32, i32, i32
  }
  func.func @transform_2(%arg0: i32, %arg1: i32) -> (i32, i32, i32) {
    %c0_i32 = arith.constant 0 : i32
    %c0_i32_0 = arith.constant 0 : i32
    return %arg1, %arg0, %c0_i32 : i32, i32, i32
  }
}

</mosaic_0001>

<sc_bundles>
// kernel: kernel.4.cloned.1.call-start
scs
__scs_entry_jumppad:
0x0: {  	(pc) =	sbr.rel $0x88, $3  }
0x1: {  	(tag) =	ssettag $0x0;
	lr =	simm.s32 $0x1  }
0x2: {  	[smem:$0x3F8B] =	sst lr;
	_ =	strace $0xD0000000  }
0x3: {  	_ = 	snop  }
0x4: {  	_ = 	snop  }
0x5: {  	_ = 	snop  }
0x6: {  	_ = 	snop  }
0x7: {  	_ = 	snop  }
__scs_overlays_trampoline_lowered:
0x8: {  	[smem:$0x3F9A] =	sst s0  }
0x9: {  	[smem:$0x3F9B] =	sst s1  }
0xa: {  	[smem:$0x3F9C] =	sst s2  }
0xb: {  	[smem:$0x3F9D] =	sst s3  }
0xc: {  	[smem:$0x3F9E] =	sst s4  }
0xd: {  	[smem:$0x3F9F] =	sst s5  }
0xe: {  	[smem:$0x3FA0] =	sst s6  }
0xf: {  	[smem:$0x3FA1] =	sst s7  }
0x10: {  	[smem:$0x3FA2] =	sst s8  }
0x11: {  	[smem:$0x3FA3] =	sst s9;
	s0 =	simm.s32 @!p0 $0x0  }
0x12: {  	s1 =	sld [smem:$0x3F89];
	s0 =	simm.s32 @p0 $0x1  }
0x13: {  	[smem:$0x3FA4] =	sst s0;
	s0 =	simm.s32 @!p1 $0x0  }
0x14: {  	s2 =	sld [smem:$0x3F88];
	s0 =	simm.s32 @p1 $0x1  }
0x15: {  	[smem:$0x3FA5] =	sst s0;
	s0 =	simm.s32 @!p2 $0x0  }
0x16: {  	s3 =	sld [smem:$0x3FDB];
	s0 =	simm.s32 @p2 $0x1  }
0x17: {  	s4 =	simm.s32 $0x1BF5;
	[smem:$0x3FA7] =	sst s0  }
0x18: {  	s0 =	sld [smem:$0x3F8A];
	_ =	swait.ge [sflag:s4], $0x0  }
0x19: {  	s7 =	sld [smem:$0x3F8B]  }
0x1a: {  	s8 =	sadd.s32 $0xFFFFE003, lr  }
0x1b: {  	s9 =	sadd.s32 $0xFFFFFEF7, lr;
	s5 =	simm.s32 $0xFFFFFFFF;
	p2 =	slt.u32 s8, $0xFFFFF086  }
0x1c: {  	p1 =	slt.u32 s9, $0xF7A;
	s5 =	simm.s32 @!p2 $0x0  }
0x1d: {  	s5 =	simm.s32 @p1 $0x1;
	p0 =	seq.s32 s7, s2  }
0x1e: {  	s7 =	smul.u32 @!p0 $0xF7A, s2;
	p2 =	seq.s32 @!p0 s5, $0x0  }
0x1f: {  	s9 =	smul.u32 $0xF7A, s1;
	s8 =	simm.s32 @!p0 $0x1BF5;
	p2 =	por !p2, p0  }
0x20: {  	[sflag:s8] =	ssyncset.s32 @!p0 $0xFFFFF086;
	s6 =	sadd.s32 @!p0 s3, s7;
	s7 =	simm.s32 @!p0 $0x108  }
0x21: {  	s3 =	sadd.s32 s3, s9;
	s6 =	sadd.s32 @!p0 $0x88, s6;
	s7 =	simm.s32 @p2 $0x1082  }
0x22: {  	[simem:s7], [sflag:s8] =	dma.local @!p0 [hbm:s6], $0xF7A  }
0x23: {  	s9 =	sor.u32 $0xD0000000, s2;
	s6 =	simm.s32 $0x108;
	_ =	swait.ge @!p0 [sflag:s8], $0x0  }
0x24: {  	s3 =	sadd.s32 $0x88, s3;
	s6 =	simm.s32 @!p1 $0x1082;
	[sflag:s4] =	ssyncset.s32 $0xFFFFF086  }
0x25: {  	[simem:s6], [sflag:s4] =	dma.local [hbm:s3], $0xF7A  }
0x26: {  	[smem:$0x3F8B] =	sst s1;
	(tag) =	ssettag s2;
	_ =	strace s9  }
0x27: {  	s1 =	sld [smem:$0x3F9B]  }
0x28: {  	s2 =	sld [smem:$0x3F9C]  }
0x29: {  	s4 =	sld [smem:$0x3F9E]  }
0x2a: {  	p0 =	seq.s32 s5, $0x0;
	s5 =	sld [smem:$0x3F9F]  }
0x2b: {  	s6 =	sld [smem:$0x3FA0]  }
0x2c: {  	s7 =	sld [smem:$0x3FA1]  }
0x2d: {  	s3 =	simm.s32 $0x108;
	s8 =	sld [smem:$0x3FA2]  }
0x2e: {  	s3 =	simm.s32 @!p0 $0x1082;
	s9 =	sld [smem:$0x3FA3]  }
0x2f: {  	lr =	sadd.s32 s0, s3;
	s0 =	sld [smem:$0x3F9A]  }
0x30: {  	s3 =	sld [smem:$0x3F9D]  }
0x31: {  	[smem:$0x3FA6] =	sst s10  }
0x32: {  	s10 =	sld [smem:$0x3FA4];
	_ =	sdelay $0x3  }
0x33: {  	p0 =	seq.s32 s10, $0x1;
	s10 =	sld [smem:$0x3FA6];
	_ =	sdelay $0x3  }
0x34: {  	[smem:$0x3FA6] =	sst s10  }
0x35: {  	s10 =	sld [smem:$0x3FA5];
	_ =	sdelay $0x3  }
0x36: {  	p1 =	seq.s32 s10, $0x1;
	s10 =	sld [smem:$0x3FA6];
	_ =	sdelay $0x3  }
0x37: {  	[smem:$0x3FA6] =	sst s10  }
0x38: {  	s10 =	sld [smem:$0x3FA7]  }
0x39: {  	_ = 	snop;
	(pc) =	sbr.ind lr, $3  }
0x3a: {  	_ = 	snop  }
0x3b: {  	_ = 	snop  }
0x3c: {  	p2 =	seq.s32 s10, $0x1;
	s10 =	sld [smem:$0x3FA6]  }
0x3d: {  	_ =	shalt  }
0x3e: {  	_ =	shalt  }
0x3f: {  	_ =	shalt  }
0x40: {  	_ =	shalt  }
0x41: {  	_ =	shalt  }
0x42: {  	_ =	shalt  }
0x43: {  	_ =	shalt  }
0x44: {  	_ =	shalt  }
0x45: {  	_ =	shalt  }
0x46: {  	_ =	shalt  }
0x47: {  	_ =	shalt  }
0x48: {  	_ =	shalt  }
0x49: {  	_ =	shalt  }
0x4a: {  	_ =	shalt  }
0x4b: {  	_ =	shalt  }
0x4c: {  	_ =	shalt  }
0x4d: {  	_ =	shalt  }
0x4e: {  	_ =	shalt  }
0x4f: {  	_ =	shalt  }
0x50: {  	_ =	shalt  }
0x51: {  	_ =	shalt  }
0x52: {  	_ =	shalt  }
0x53: {  	_ =	shalt  }
0x54: {  	_ =	shalt  }
0x55: {  	_ =	shalt  }
0x56: {  	_ =	shalt  }
0x57: {  	_ =	shalt  }
0x58: {  	_ =	shalt  }
0x59: {  	_ =	shalt  }
0x5a: {  	_ =	shalt  }
0x5b: {  	_ =	shalt  }
0x5c: {  	_ =	shalt  }
0x5d: {  	_ =	shalt  }
0x5e: {  	_ =	shalt  }
0x5f: {  	_ =	shalt  }
0x60: {  	_ =	shalt  }
0x61: {  	_ =	shalt  }
0x62: {  	_ =	shalt  }
0x63: {  	_ =	shalt  }
0x64: {  	_ =	shalt  }
0x65: {  	_ =	shalt  }
0x66: {  	_ =	shalt  }
0x67: {  	_ =	shalt  }
0x68: {  	_ =	shalt  }
0x69: {  	_ =	shalt  }
0x6a: {  	_ =	shalt  }
0x6b: {  	_ =	shalt  }
0x6c: {  	_ =	shalt  }
0x6d: {  	_ =	shalt  }
0x6e: {  	_ =	shalt  }
0x6f: {  	_ =	shalt  }
0x70: {  	_ =	shalt  }
0x71: {  	_ =	shalt  }
0x72: {  	_ =	shalt  }
0x73: {  	_ =	shalt  }
0x74: {  	_ =	shalt  }
0x75: {  	_ =	shalt  }
0x76: {  	_ =	shalt  }
0x77: {  	_ =	shalt  }
0x78: {  	_ =	shalt  }
0x79: {  	_ =	shalt  }
0x7a: {  	_ =	shalt  }
0x7b: {  	_ =	shalt  }
0x7c: {  	_ =	shalt  }
0x7d: {  	_ =	shalt  }
0x7e: {  	_ =	shalt  }
0x7f: {  	_ =	shalt  }
0x80: {  	_ =	shalt  }
0x81: {  	_ =	shalt  }
0x82: {  	_ =	shalt  }
0x83: {  	_ =	shalt  }
0x84: {  	_ =	shalt  }
0x85: {  	_ =	shalt  }
0x86: {  	_ =	shalt  }
0x87: {  	_ =	shalt  }
.Lfunc_end0:
.L_simem_size_0:
called_computation_lowered:
.L_overlay_start_0:
0x88: {  	s2 =	sld [smem:$0x3FD9]  }
0x89: {  	s3 =	sld [smem:$0x3FFE];
	_ =	sdelay $0x1  }
0x8a: {  	s1 =	srdreg.scid  }
0x8b: {  	s0 =	sand.u32 $0x1, s1  }
0x8c: {  	s17 =	sshll.u32 s0, $0xA;
	s2 =	sadd.s32 s3, s2  }
0x8d: {  	s2 =	sadd.s32 s2, s17  }
0x8e: {  	[smem:$0x3FB2] =	sst s2  }
0x8f: {  	_ = 	snop  }
0x90: {  	s2 =	sld [smem:$0x3FD0];
	(tm) =	ssettm $0x1  }
0x91: {  	s18 =	sld [smem:$0x3FFB];
	_ =	sdelay $0x3  }
0x92: {  	_ =	strace s18  }
0x93: {  	s3 =	sld [smem:$0x3FFC];
	_ =	sdelay $0x3  }
0x94: {  	_ =	strace s3  }
0x95: {  	s3 =	sld [smem:$0x3FFD];
	_ =	sdelay $0x3  }
0x96: {  	_ =	strace s3  }
0x97: {  	_ =	strace $0x8FFFFFFF  }
0x98: {  	s19 =	sld [smem:$0x3FDB];
	_ =	sdelay $0x1  }
0x99: {  	s4 =	simm.s32 $_scs_section_size  }
0x9a: {  	s5 =	simm.s32 $_size__tile_overlayer_lowered;
	s6 =	simm.s32 $_tile_overlayer_lowered  }
0x9b: {  	s22 =	simm.s32 $0x1BFF;
	s21 =	sshll.u32 s6, $0x1;
	s3 =	sadd.s32 s4, s19  }
0x9c: {  	s7 =	simm.s32 $0x0;
	s20 =	sshll.u32 s5, $0x1;
	s5 =	sadd.s32 s21, s3  }
0x9d: {  	[timem:s7], [sflag:s22] =	dma.local [hbm:s5], s20  }
0x9e: {  	_ =	swait.ge [sflag:s22], s20  }
0x9f: {  	s4 =	ssub.s32 $0x0, s20;
	[sflag:s22] =	ssyncset.done $0x0  }
0xa0: {  	[sflag:s22] =	ssyncadd.s32 s4;
	_ =	sdelay $0x1  }
0xa1: {  	s23 =	simm.s32 $0x1B8B  }
0xa2: {  	_ =	swait.ge [sflag:s23], $0x1  }
0xa3: {  	[sflag:s23] =	ssyncset.done $0x0  }
0xa4: {  	s25 =	simm.s32 $0x1B8E;
	s24 =	sld [smem:$0x3FFE];
	[sflag:s23] =	ssyncadd.s32 $0xFFFFFFFF  }
0xa5: {  	s26 =	simm.s32 $execute0_lowered;
	[smem:$0x3FD2] =	sst s25  }
0xa6: {  	s5 =	sshll.u32 s26, $0x1;
	_ =	strace $0x80000046;
	[dreg:$0x1] =	wrdreg $0xFFFFFFFF  }
0xa7: {  	s28 =	simm.s32 $_size_execute0_lowered;
	s3 =	sadd.s32 s3, s5;
	[dreg:$0x0] =	wrdreg $0x0  }
0xa8: {  	s5 =	sshll.u32 s28, $0x1;
	[dreg:$0x2] =	wrdreg s3  }
0xa9: {  	[dreg:$0x3] =	wrdreg s5  }
0xaa: {  	[dreg:$0x4] =	wrdreg $0xC0  }
0xab: {  	_ =	task [dreg:s7], $0x5FFFF  }
0xac: {  	[dreg:$0x1] =	wrdreg $0xFFFFFFFF  }
0xad: {  	[dreg:$0x0] =	wrdreg $0x60  }
0xae: {  	[dreg:$0x2] =	wrdreg s24  }
0xaf: {  	[dreg:$0x3] =	wrdreg s2  }
0xb0: {  	[dreg:$0x4] =	wrdreg $0x14B000  }
0xb1: {  	[dreg:$0x5] =	wrdreg $0x18B000  }
0xb2: {  	[dreg:$0x6] =	wrdreg $0x9  }
0xb3: {  	_ =	task.clear_ibuf [dreg:s7], $0x7FFFF;
	_ =	strace $0x90000046  }
0xb4: {  	s29 =	simm.s32 $0x9;
	_ =	strace $0x80000048  }
0xb5: {  	_ =	swait.ge [sflag:s29], $0x1  }
0xb6: {  	[sflag:s29] =	ssyncadd.s32 $0xFFFFFFFF  }
0xb7: {  	_ =	strace $0x90000048  }
0xb8: {  	_ =	sfence  }
0xb9: {  	s30 =	sld [smem:$0x0];
	_ =	sdelay $0x2  }
0xba: {  	s31 =	sshll.u32 s1, $0xD;
	s1 =	sshrl.u32 s1, $0x2  }
0xbb: {  	s3 =	sand.u32 $0x4000, s31;
	s1 =	sadd.s32 s1, s30  }
0xbc: {  	s0 =	sor.u32 s3, s0;
	s1 =	sshll.u32 s1, $0x11  }
0xbd: {  	s0 =	sor.u32 s1, s0  }
0xbe: {  	s0 =	sadd.s32 $0x8F2B, s0  }
0xbf: {  	[sflag:s0] =	ssyncadd.remote.s32 $0x1  }
0xc0: {  	_ =	sfence.sel $0xFFFF  }
0xc1: {  	[dreg:$0x0] =	wrdreg $0xFFFFFFFF;
	(pc) =	sbr.abs _section_cstart, $3  }
0xc2: {  	[dreg:$0x1] =	wrdreg $0xFFFFFFFF  }
0xc3: {  	_ =	task.clear_ibuf [dreg:s7], $0x2FFFF;
	_ =	strace $0x9FFFFFFF  }
0xc4: {  	(tm) =	ssettm $0x7FFFFFFF  }
0xc5: {  	_ =	shalt  }
tec
execute0_lowered:
.L_overlay_start_1:
0x0: {  	(tag) =	ssettag $0x1  }
0x1: {  	s0 =	rddreg [dreg:$0x0]  }
0x2: {  	s2 =	rddreg [dreg:$0x2]  }
0x3: {  	s3 =	rddreg [dreg:$0x3]  }
0x4: {  	s1 =	simm.s32 $0x0;
	s14 =	srdreg.scid;
	s5 =	stileid.u32  }
0x5: {  	s28 =	simm.s32 $0x400;
	s29 =	simm.s32 $0x700;
	s30 =	simm.s32 $0x1  }
0x6: {  	s31 =	simm.s32 $0x2;
	[smem:$0x7FF] =	sst s1;
	s4 =	sadd.s32 $0x65200, s0  }
0x7: {  	s1 =	sand.u32 $0x1, s14;
	s15 =	sadd.s32 $0x34200, s0;
	s8 =	sadd.s32 $0x3200, s0  }
0x8: {  	v0 =	vimm.s32 $0xEDCBA987;
	s0 =	sadd.s32 $0xB13800, s0;
	_ =	strace $0x80000047;
	[dreg:$0x5] =	wrdreg s4  }
0x9: {  	v1 =	vimm.s32 $0x65432100;
	v5 =	vimm.s32 $0xDCBA9876;
	v2 =	vunpack.c.l.s4.s8 v0;
	s18 =	sshll.u32 s5, $0xE;
	[dreg:$0x6] =	wrdreg s15;
	s16 =	ssub.s32 $0x2, s1  }
0xa: {  	v6 =	vimm.s32 $0x54321000;
	v7 =	vimm.s32 $0xBA987654;
	v3 =	vunpack.c.l.s4.s8 v1;
	[dreg:$0x7] =	wrdreg s0;
	s1 =	smul.u32 $0xC350, s1;
	s19 =	sadd.s32 s18, s2  }
0xb: {  	vm0 =	vmmov $0x3;
	s9 =	simm.s32 $0x3F80;
	vm2 =	vcmask $0x3F30;
	s10 =	simm.s32 $0x9180;
	v4 =	vunpack.c.0.s8.s32 v2;
	[dreg:$0x9] =	wrdreg s19  }
0xc: {  	s12 =	simm.s32 $0x10280;
	vm1 =	vmmov $0xf;
	v0 =	vimm.f32 $0.0e+00;
	v3 =	vunpack.c.0.s8.s32 v3;
	s20 =	sadd.s32 $0x800, s19;
	[dreg:$0x8] =	wrdreg s1  }
0xd: {  	v1 =	vimm.s32 $0x0;
	s13 =	smul.u32 $0x3100, s5;
	v5 =	vunpack.c.l.s4.s8 v5;
	s21 =	sadd.s32 $0x1000, s19;
	[dreg:$0xb] =	wrdreg s20;
	v4 =	vand.u32 $0xF, v4  }
0xe: {  	s14 =	simm.s32 $0x40;
	s22 =	sadd.s32 $0x1800, s19;
	[dreg:$0xc] =	wrdreg s21;
	v3 =	vcombine.low v3, v4;
	v4 =	vunpack.c.l.s4.s8 v6;
	v6 =	vimm.s32 $0xE40000  }
0xf: {  	v7 =	vunpack.c.l.s4.s8 v7;
	s5 =	simm.s32 $0x0;
	s23 =	sadd.s32 $0x2000, s19;
	v5 =	vunpack.c.0.s8.s32 v5;
	[dreg:$0xd] =	wrdreg s22;
	v6 =	vunpack.c.l.s2.s4 v6  }
0x10: {  	s11 =	sadd.s32 s18, s3;
	v2 =	vimm.f32 $1.000000000e+00;
	s24 =	sadd.s32 $0x2800, s19;
	[dreg:$0xe] =	wrdreg s23;
	v8 =	vunpack.c.0.s8.s32 v4;
	v4 =	vimm.s32 $0x32100000  }
0x11: {  	s17 =	sshrl.u32 s16, $0x1;
	s25 =	sadd.s32 $0x3000, s19;
	[dreg:$0xf] =	wrdreg s24;
	v5 =	vand.u32 $0xF, v5;
	v9 =	vunpack.c.l.s4.s8 v4;
	v6 =	vunpack.c.l.s4.s8 v6  }
.Ltmp0:
0x12: {  	s26 =	sadd.s32 $0x3800, s19;
	v7 =	vunpack.c.0.s8.s32 v7;
	[dreg:$0x10] =	wrdreg s25;
	v4 =	vlaneseq.u32;
	v5 =	vcombine.low v8, v5;
	(pc) =	sbr.rel .LBB2_1-.Ltmp0, $4  }
0x13: {  	s15 =	simm.s32 $0x7180;
	s0 =	ssub.s32 s16, s17;
	[dreg:$0x11] =	wrdreg s26;
	v8 =	vunpack.c.0.s8.s32 v9;
	v9 =	vimm.s32 $0x7060504;
	v10 =	vunpack.c.0.s8.s32 v6  }
0x14: {  	s23 =	simm.s32 $0x3;
	s26 =	simm.s32 $0x80;
	s22 =	simm.s32 $0xE00;
	v6 =	vand.u32 $0xF, v7;
	v7 =	vunpack.c.0.s8.s32 v9;
	v9 =	vimm.s32 $0x7D0  }
0x15: {  	s1 =	simm.s32 $0x7100;
	s16 =	simm.s32 $0xB180;
	s0 =	smax.u32 s0, $0x1;
	v6 =	vcombine.low v8, v6;
	v8 =	vand.u32 $0x3, v10;
	v10 =	vmul.u32 $0x80, v4  }
0x16: {  	s17 =	simm.s32 $0xBA00;
	[dreg:$0xa] =	wrdreg s0;
	s0 =	simm.s32 $0xB980;
	v7 =	vsel vm2, v7, v8;
	vm2 =	vmmov $0xff;
	v8 =	vor.u32 $0x3170, v4  }
.LBB2_38:
0x17: {  	s5 =	rddreg [dreg:$0x12]  }
0x18: {  	s4 =	rddreg [dreg:$0xa];
	s5 =	sadd.s32 $0x1, s5  }
0x19: {  	p0 =	sne.s32 s5, s4  }
.Ltmp1:
0x1a: {  	_ = 	snop;
	(pc) =	sbr.rel @!p0 .LBB2_39-.Ltmp1, $1  }
0x1b: {  	_ =	sdelay $0x3  }
.LBB2_1:
0x1c: {  	[dreg:$0x12] =	wrdreg s5;
	s4 =	simm.s32 $0x0;
	s5 =	simm.s32 $0x200  }
.LBB2_2:
0x1d: {  	p0 =	sne.s32 s5, $0x1E00;
	[tilespmem:s4+$0xBAF0] =	vst v0  }
0x1e: {  	[tilespmem:s4+$0xBA80] =	vst v0  }
0x1f: {  	[tilespmem:s4+$0xBA90] =	vst v0  }
.Ltmp2:
0x20: {  	[tilespmem:s4+$0xBAA0] =	vst v0;
	(pc) =	sbr.rel @p0 .LBB2_2-.Ltmp2, $4  }
0x21: {  	[tilespmem:s4+$0xBAB0] =	vst v0  }
0x22: {  	[tilespmem:s4+$0xBAC0] =	vst v0  }
0x23: {  	[tilespmem:s4+$0xBAD0] =	vst v0  }
0x24: {  	[tilespmem:s4+$0xBAE0] =	vst v0;
	s4 =	sshra.s32 s5, $0x2;
	s5 =	sadd.s32 $0x200, s5  }
0x25: {  	[tilespmem:s4+$0xBAF0] =	vst v0  }
0x26: {  	[tilespmem:s4+$0xBA80] =	vst v0  }
0x27: {  	[tilespmem:s4+$0xBA90] =	vst v0  }
0x28: {  	[tilespmem:s4+$0xBAA0] =	vst v0  }
0x29: {  	[tilespmem:s4+$0xBAB0] =	vst v0  }
0x2a: {  	[tilespmem:s4+$0xBAC0] =	vst v0  }
0x2b: {  	[tilespmem:s4+$0xBAD0] =	vst v0  }
0x2c: {  	s5 =	simm.s32 $0x0;
	[tilespmem:s4+$0xBAE0] =	vst v0;
	s4 =	simm.s32 $0x200;
	s7 =	simm.s32 $0x0  }
.LBB2_4:
0x2d: {  	p0 =	sne.s32 s4, $0xFE00;
	[tilespmem:s7+$0xC280] =	vst v0;
	s7 =	smov.u32 s4;
	s4 =	sadd.s32 $0x200, s4  }
.Ltmp3:
0x2e: {  	(pc) =	sbr.rel @p0 .LBB2_4-.Ltmp3, $2  }
0x2f: {  	_ =	sdelay $0x2  }
0x30: {  	s7 =	sshra.s32 s7, $0x2  }
0x31: {  	[tilespmem:s7+$0xC280] =	vst v0  }
.LBB2_6:
0x32: {  	p0 =	sne.s32 s5, $0xC5C0  }
.Ltmp4:
0x33: {  	_ = 	snop;
	(pc) =	sbr.rel @p0 .LBB2_6-.Ltmp4, $3  }
0x34: {  	_ =	sdelay $0x1  }
0x35: {  	s4 =	sshra.s32 s5, $0x2  }
0x36: {  	s5 =	sadd.s32 $0x40, s5;
	[tilespmem:s4+$0xE00] =	vst v1  }
0x37: {  	s4 =	simm.s32 $0x200;
	s5 =	simm.s32 $0x0  }
.LBB2_8:
0x38: {  	p0 =	sne.s32 s4, $0x7E00;
	[tilespmem:s5+$0x9180] =	vst v2;
	s5 =	smov.u32 s4;
	s4 =	sadd.s32 $0x200, s4  }
.Ltmp5:
0x39: {  	(pc) =	sbr.rel @p0 .LBB2_8-.Ltmp5, $2  }
0x3a: {  	_ =	sdelay $0x2  }
0x3b: {  	s5 =	sshra.s32 s5, $0x2  }
0x3c: {  	[tilespmem:s5+$0x9180] =	vst v2;
	s6 =	simm.s32 $0x0;
	s4 =	rddreg [dreg:$0x7];
	s24 =	simm.s32 $0x14280  }
0x3d: {  	[tilespmem:s24], [sflag:$0x3] =	stream.linear.gather [hbm4b:s4+s6], $0x80, $0x38;
	[tilespmem:$0x19300] =	vst v63  }
0x3e: {  	_ =	swait.ge [sflag:s23], $0x80  }
0x3f: {  	[sflag:s23] =	ssyncset.done $0x0  }
0x40: {  	s25 =	simm.s32 $0xC280;
	[sflag:s23] =	ssyncadd.s32 $0xFFFFFF80  }
0x41: {  	[spmem:s11] =	stream.linear.scatter [tilespmem:s25], [sflag:$0x3], $0x4000, $0x38;
	[tilespmem:$0x19300] =	vst v63  }
.Ltmp6:
0x42: {  	_ =	swait.ge [sflag:s23], $0x4000;
	(pc) =	sbr.rel .LBB2_10-.Ltmp6, $3  }
0x43: {  	[sflag:s23] =	ssyncset.done $0x0  }
0x44: {  	[sflag:s23] =	ssyncadd.s32 $0xFFFFC000  }
0x45: {  	[bflag:$0x0] =	sbarrier.arrive $0xFFFF;
	_ =	sdelay $0x1  }
.LBB2_37:
0x46: {  	s6 =	rddreg [dreg:$0x13]  }
0x47: {  	s6 =	sadd.s32 $0x1, s6  }
0x48: {  	p0 =	sne.s32 s6, $0x19  }
.Ltmp7:
0x49: {  	_ = 	snop;
	(pc) =	sbr.rel @!p0 .LBB2_38-.Ltmp7, $2  }
0x4a: {  	_ =	sdelay $0x1  }
0x4b: {  	[bflag:$0x0] =	sbarrier.arrive $0xFFFF;
	_ =	sdelay $0x1  }
.LBB2_10:
0x4c: {  	s4 =	rddreg [dreg:$0x9];
	s5 =	simm.s32 $0xBA80  }
0x4d: {  	[spmem:s4] =	stream.linear.scatter [tilespmem:s5], [sflag:$0x3], $0x800, $0x38;
	[tilespmem:$0x19300] =	vst v63  }
0x4e: {  	_ =	swait.ge [sflag:s23], $0x800  }
0x4f: {  	[sflag:s23] =	ssyncset.done $0x0  }
0x50: {  	s24 =	rddreg [dreg:$0xb];
	[sflag:s23] =	ssyncadd.s32 $0xFFFFF800  }
0x51: {  	[spmem:s24] =	stream.linear.scatter [tilespmem:s5], [sflag:$0x3], $0x800, $0x38;
	[tilespmem:$0x19300] =	vst v63  }
0x52: {  	_ =	swait.ge [sflag:s23], $0x800  }
0x53: {  	[sflag:s23] =	ssyncset.done $0x0  }
0x54: {  	s25 =	rddreg [dreg:$0xc];
	[sflag:s23] =	ssyncadd.s32 $0xFFFFF800  }
0x55: {  	[spmem:s25] =	stream.linear.scatter [tilespmem:s5], [sflag:$0x3], $0x800, $0x38;
	[tilespmem:$0x19300] =	vst v63  }
0x56: {  	_ =	swait.ge [sflag:s23], $0x800  }
0x57: {  	[sflag:s23] =	ssyncset.done $0x0  }
0x58: {  	s7 =	rddreg [dreg:$0xd];
	[sflag:s23] =	ssyncadd.s32 $0xFFFFF800  }
0x59: {  	[spmem:s7] =	stream.linear.scatter [tilespmem:s5], [sflag:$0x3], $0x800, $0x38;
	[tilespmem:$0x19300] =	vst v63  }
0x5a: {  	_ =	swait.ge [sflag:s23], $0x800  }
0x5b: {  	[sflag:s23] =	ssyncset.done $0x0  }
0x5c: {  	s18 =	rddreg [dreg:$0xe];
	[sflag:s23] =	ssyncadd.s32 $0xFFFFF800  }
0x5d: {  	[spmem:s18] =	stream.linear.scatter [tilespmem:s5], [sflag:$0x3], $0x800, $0x38;
	[tilespmem:$0x19300] =	vst v63  }
0x5e: {  	_ =	swait.ge [sflag:s23], $0x800  }
0x5f: {  	[sflag:s23] =	ssyncset.done $0x0  }
0x60: {  	s19 =	rddreg [dreg:$0xf];
	[sflag:s23] =	ssyncadd.s32 $0xFFFFF800  }
0x61: {  	[spmem:s19] =	stream.linear.scatter [tilespmem:s5], [sflag:$0x3], $0x800, $0x38;
	[tilespmem:$0x19300] =	vst v63  }
0x62: {  	_ =	swait.ge [sflag:s23], $0x800  }
0x63: {  	[sflag:s23] =	ssyncset.done $0x0  }
0x64: {  	s20 =	rddreg [dreg:$0x10];
	[sflag:s23] =	ssyncadd.s32 $0xFFFFF800  }
0x65: {  	[spmem:s20] =	stream.linear.scatter [tilespmem:s5], [sflag:$0x3], $0x800, $0x38;
	[tilespmem:$0x19300] =	vst v63  }
0x66: {  	_ =	swait.ge [sflag:s23], $0x800  }
0x67: {  	[sflag:s23] =	ssyncset.done $0x0  }
0x68: {  	s21 =	rddreg [dreg:$0x11];
	[sflag:s23] =	ssyncadd.s32 $0xFFFFF800  }
0x69: {  	[spmem:s21] =	stream.linear.scatter [tilespmem:s5], [sflag:$0x3], $0x800, $0x38;
	[tilespmem:$0x19300] =	vst v63  }
.Ltmp8:
0x6a: {  	_ =	swait.ge [sflag:s23], $0x800;
	(pc) =	sbr.rel .LBB2_11-.Ltmp8, $4  }
0x6b: {  	s24 =	smul.u32 $0x7D0, s6;
	[dreg:$0x13] =	wrdreg s6;
	[sflag:s23] =	ssyncset.done $0x0  }
0x6c: {  	s25 =	rddreg [dreg:$0x8];
	[sflag:s23] =	ssyncadd.s32 $0xFFFFF800  }
0x6d: {  	s4 =	sadd.s32 s25, s24;
	[bflag:$0x0] =	sbarrier.arrive $0xFFFF  }
0x6e: {  	s25 =	simm.s32 $0x0;
	v11 =	vmov s4;
	[dreg:$0x14] =	wrdreg s4  }
.LBB2_30:
0x6f: {  	s25 =	sadd.s32 $0x1, s25  }
0x70: {  	p0 =	sne.s32 s25, $0x7  }
.Ltmp9:
0x71: {  	_ = 	snop;
	(pc) =	sbr.rel @!p0 .LBB2_31-.Ltmp9, $2  }
0x72: {  	_ =	sdelay $0x1  }
0x73: {  	[bflag:$0x0] =	sbarrier.arrive $0xFFFF;
	_ =	sdelay $0x1  }
.LBB2_11:
0x74: {  	s4 =	sshll.u32 s25, $0x4  }
0x75: {  	s5 =	rddreg [dreg:$0x6];
	s20 =	simm.s32 $0x0;
	s7 =	simm.s32 $0x0  }
0x76: {  	s24 =	simm.s32 $0x0;
	s21 =	sadd.s32 s5, s4;
	s4 =	sadd.s32 s8, s4  }
.LBB2_12:
0x77: {  	s5 =	smul.u32 $0x700, s24;
	_ =	sdelay $0x1  }
0x78: {  	s5 =	sadd.s32 s13, s5  }
0x79: {  	s18 =	sadd.s32 s5, s21  }
0x7a: {  	[tilespmem:s20], [sflag:$0x1] =	stream.strided.gather [hbm4b:s18+s26], $0x700, s28, s26, $0x38;
	[tilespmem:$0x19300] =	vst v63  }
0x7b: {  	s5 =	sadd.s32 s5, s4  }
0x7c: {  	[tilespmem:s29], [sflag:$0x2] =	stream.strided.gather [hbm4b:s5+s26], $0x700, s28, s26, $0x38;
	[tilespmem:$0x19300] =	vst v63  }
0x7d: {  	_ =	swait.ge [sflag:s30], $0x700  }
0x7e: {  	[sflag:s30] =	ssyncset.done $0x0  }
0x7f: {  	[sflag:s30] =	ssyncadd.s32 $0xFFFFF900  }
0x80: {  	_ =	swait.ge [sflag:s31], $0x700  }
0x81: {  	[sflag:s31] =	ssyncset.done $0x0  }
0x82: {  	s18 =	simm.s32 $0x0;
	[sflag:s31] =	ssyncadd.s32 $0xFFFFF900  }
0x83: {  	v12 =	vld [tilespmem:s18+$0x700];
	_ =	sdelay $0x4  }
0x84: {  	v12 =	vsub.s32 v12, v11  }
0x85: {  	vm4 =	vlt.u32 v12, $0x7D0  }
0x86: {  	v14 =	vsel vm4, $0x1, v1  }
0x87: {  	v13 =	vld [tilespmem:s18+$0x0];
	[tilespmem:$0xB980] =	vst v14  }
0x88: {  	v15 =	vld.idx.msk [tilespmem:v3+s0+$0x0], $0xffff;
	_ =	sdelay $0x3  }
0x89: {  	vm3 =	veq.s32 v4, $0x0  }
0x8a: {  	v15 =	vsel vm3, $0x0, v15  }
0x8b: {  	v14 =	vadd.s32 v14, v15  }
0x8c: {  	[tilespmem:$0xB980] =	vst v14  }
0x8d: {  	v15 =	vld.idx.msk [tilespmem:v5+s0+$0x0], $0xffff;
	_ =	sdelay $0x4  }
0x8e: {  	v15 =	vsel vm0, $0x0, v15  }
0x8f: {  	v14 =	vadd.s32 v14, v15  }
0x90: {  	[tilespmem:$0xB980] =	vst v14  }
0x91: {  	v15 =	vld.idx.msk [tilespmem:v6+s0+$0x0], $0xffff;
	_ =	sdelay $0x4  }
0x92: {  	v15 =	vsel vm1, $0x0, v15  }
0x93: {  	v14 =	vadd.s32 v14, v15  }
0x94: {  	[tilespmem:$0xB980] =	vst v14  }
0x95: {  	v15 =	vld.idx.msk [tilespmem:v7+s0+$0x0], $0xffff;
	_ =	sdelay $0x4  }
0x96: {  	v16 =	vsel vm4, $0xFFFFFFFF, v1;
	v15 =	vsel vm2, $0x0, v15  }
0x97: {  	v14 =	vadd.s32 v14, v15;
	v15 =	vadd.s32 s7, v16  }
0x98: {  	v15 =	vadd.s32 v14, v15;
	(v2sf) =	vpush v14, $0xF  }
0x99: {  	v14 =	vsel vm4, v15, v8;
	_ =	sdelay $0x4  }
0x9a: {  	[tilespmem:v14+s22+$0x0] =	vst.idx.msk $0xffff, v13  }
0x9b: {  	s19 =	simm.s32 $0x10;
	[tilespmem:v14+s9+$0x0] =	vst.idx.msk $0xffff, v12  }
0x9c: {  	v12 =	vld [tilespmem:s19+$0x700];
	_ =	sdelay $0x4  }
0x9d: {  	v12 =	vsub.s32 v12, v11  }
0x9e: {  	vm4 =	vlt.u32 v12, $0x7D0  }
0x9f: {  	s18 =	simm.s32 $0x80;
	v13 =	vld [tilespmem:s19+$0x0];
	v14 =	vsel vm4, $0x1, v1;
	s5 =	spop (v2sf)  }
.LBB2_13:
0xa0: {  	p0 =	sne.s32 s18, $0x1BC0  }
0xa1: {  	[tilespmem:$0xB980] =	vst v14;
	s7 =	sadd.s32 s7, s5;
	s5 =	smov.u32 s18;
	s18 =	sadd.s32 $0x40, s18  }
0xa2: {  	v15 =	vld.idx.msk [tilespmem:v3+s0+$0x0], $0xffff;
	_ =	sdelay $0x5  }
0xa3: {  	v15 =	vsel vm3, $0x0, v15  }
0xa4: {  	v14 =	vadd.s32 v14, v15  }
0xa5: {  	[tilespmem:$0xB980] =	vst v14  }
0xa6: {  	v15 =	vld.idx.msk [tilespmem:v5+s0+$0x0], $0xffff;
	_ =	sdelay $0x5  }
0xa7: {  	v15 =	vsel vm0, $0x0, v15  }
0xa8: {  	v14 =	vadd.s32 v14, v15  }
0xa9: {  	[tilespmem:$0xB980] =	vst v14  }
0xaa: {  	v15 =	vld.idx.msk [tilespmem:v6+s0+$0x0], $0xffff;
	_ =	sdelay $0x5  }
0xab: {  	v15 =	vsel vm1, $0x0, v15  }
0xac: {  	v14 =	vadd.s32 v14, v15  }
0xad: {  	[tilespmem:$0xB980] =	vst v14  }
0xae: {  	v15 =	vld.idx.msk [tilespmem:v7+s0+$0x0], $0xffff;
	_ =	sdelay $0x5  }
0xaf: {  	v16 =	vsel vm4, $0xFFFFFFFF, v1;
	v15 =	vsel vm2, $0x0, v15  }
0xb0: {  	v14 =	vadd.s32 v14, v15;
	v15 =	vadd.s32 s7, v16  }
0xb1: {  	v15 =	vadd.s32 v14, v15;
	(v2sf) =	vpush v14, $0xF  }
0xb2: {  	v14 =	vsel vm4, v15, v8;
	_ =	sdelay $0x4  }
0xb3: {  	[tilespmem:v14+s22+$0x0] =	vst.idx.msk $0xffff, v13  }
0xb4: {  	s5 =	sshra.s32 s5, $0x2;
	[tilespmem:v14+s9+$0x0] =	vst.idx.msk $0xffff, v12  }
0xb5: {  	v12 =	vld [tilespmem:s5+$0x700];
	_ =	sdelay $0x2  }
.Ltmp10:
0xb6: {  	(pc) =	sbr.rel @p0 .LBB2_13-.Ltmp10, $4  }
0xb7: {  	_ = 	snop  }
0xb8: {  	v12 =	vsub.s32 v12, v11  }
0xb9: {  	vm4 =	vlt.u32 v12, $0x7D0  }
0xba: {  	v13 =	vld [tilespmem:s5+$0x0];
	v14 =	vsel vm4, $0x1, v1;
	s5 =	spop (v2sf)  }
0xbb: {  	_ =	sdelay $0x2  }
0xbc: {  	[tilespmem:$0xB980] =	vst v14  }
0xbd: {  	v15 =	vld.idx.msk [tilespmem:v3+s0+$0x0], $0xffff;
	_ =	sdelay $0x3  }
0xbe: {  	vm3 =	veq.s32 v4, $0x0  }
0xbf: {  	v15 =	vsel vm3, $0x0, v15  }
0xc0: {  	v59 =	vadd.s32 v14, v15  }
0xc1: {  	[tilespmem:$0xB980] =	vst v59  }
0xc2: {  	v60 =	vld.idx.msk [tilespmem:v5+s0+$0x0], $0xffff;
	_ =	sdelay $0x4  }
0xc3: {  	v15 =	vsel vm0, $0x0, v60  }
0xc4: {  	v14 =	vadd.s32 v59, v15  }
0xc5: {  	[tilespmem:$0xB980] =	vst v14  }
0xc6: {  	v61 =	vld.idx.msk [tilespmem:v6+s0+$0x0], $0xffff;
	_ =	sdelay $0x4  }
0xc7: {  	v15 =	vsel vm1, $0x0, v61  }
0xc8: {  	v14 =	vadd.s32 v14, v15  }
0xc9: {  	[tilespmem:$0xB980] =	vst v14  }
0xca: {  	v62 =	vld.idx.msk [tilespmem:v7+s0+$0x0], $0xffff;
	_ =	sdelay $0x4  }
0xcb: {  	v15 =	vsel vm2, $0x0, v62  }
0xcc: {  	v14 =	vadd.s32 v14, v15  }
0xcd: {  	(v2sf) =	vpush v14, $0xF;
	_ =	sdelay $0x6  }
0xce: {  	s5 =	sadd.s32 s7, s5;
	v63 =	vsel vm4, $0xFFFFFFFF, v1  }
0xcf: {  	v15 =	vadd.s32 s5, v63  }
0xd0: {  	v14 =	vadd.s32 v14, v15  }
0xd1: {  	s24 =	sadd.s32 $0x1, s24;
	v14 =	vsel vm4, v14, v8  }
0xd2: {  	p0 =	sne.s32 s24, $0x7  }
.Ltmp11:
0xd3: {  	_ = 	snop;
	(pc) =	sbr.rel @p0 .LBB2_12-.Ltmp11, $3  }
0xd4: {  	_ =	sdelay $0x1  }
0xd5: {  	[tilespmem:v14+s22+$0x0] =	vst.idx.msk $0xffff, v13;
	s19 =	spop (v2sf)  }
0xd6: {  	[tilespmem:v14+s9+$0x0] =	vst.idx.msk $0xffff, v12;
	s7 =	sadd.s32 s5, s19  }
0xd7: {  	v12 =	vadd.s32 s7, v4;
	s4 =	sadd.s32 $0x10, s7  }
0xd8: {  	s20 =	sadd.s32 $0x20, s7;
	s21 =	sadd.s32 $0x30, s7;
	s24 =	sadd.s32 $0x3F, s7;
	v13 =	vadd.s32 s4, v4  }
0xd9: {  	v14 =	vadd.s32 s20, v4;
	v15 =	vadd.s32 s21, v4;
	s21 =	sshra.s32 s24, $0x6  }
0xda: {  	p0 =	slt.s32 s21, $0x1  }
.Ltmp12:
0xdb: {  	_ = 	snop;
	(pc) =	sbr.rel @p0 .LBB2_19-.Ltmp12, $4  }
0xdc: {  	[tilespmem:v12+s9+$0x0] =	vst.idx.msk $0xffff, v9  }
0xdd: {  	[tilespmem:v13+s9+$0x0] =	vst.idx.msk $0xffff, v9  }
0xde: {  	[tilespmem:v14+s9+$0x0] =	vst.idx.msk $0xffff, v9  }
0xdf: {  	s4 =	simm.s32 $0x3FA0;
	[tilespmem:v15+s9+$0x0] =	vst.idx.msk $0xffff, v9  }
0xe0: {  	v12 =	vld [tilespmem:s4+$0xFFFFFFE0];
	_ =	sdelay $0x4  }
0xe1: {  	[tilespmem:$0x7100] =	vst v12  }
0xe2: {  	v12 =	vld [tilespmem:s4+$0xFFFFFFF0];
	_ =	sdelay $0x4  }
0xe3: {  	[tilespmem:$0x7110] =	vst v12  }
0xe4: {  	v12 =	vld [tilespmem:s4+$0x0];
	_ =	sdelay $0x4  }
0xe5: {  	[tilespmem:$0x7120] =	vst v12  }
0xe6: {  	v12 =	vld [tilespmem:s4+$0x10];
	_ =	sdelay $0x2  }
0xe7: {  	p1 =	sne.s32 s21, $0x1  }
.Ltmp13:
0xe8: {  	_ = 	snop;
	(pc) =	sbr.rel @!p1 .LBB2_18-.Ltmp13, $4  }
0xe9: {  	[tilespmem:$0x7130] =	vst v12  }
0xea: {  	[spmem:s3] =	stream.indirect.scatter.add.f32 [tilespmem:s10], [sflag:$0x3], $0x10, s1, s14, $0xb8;
	[tilespmem:$0x19300] =	vst v63  }
0xeb: {  	_ =	swait.ge [sflag:s23], $0x400  }
0xec: {  	s5 =	sadd.s32 $0xFFFFFFFF, s21;
	[sflag:s23] =	ssyncset.done $0x0  }
.LBB2_17:
0xed: {  	p1 =	sne.s32 s5, $0x1;
	[sflag:s23] =	ssyncadd.s32 $0xFFFFFC00;
	s4 =	sadd.s32 $0x40, s4  }
0xee: {  	s5 =	sadd.s32 $0xFFFFFFFF, s5;
	v12 =	vld [tilespmem:s4+$0xFFFFFFE0];
	_ =	sdelay $0x4  }
0xef: {  	[tilespmem:$0x7100] =	vst v12  }
0xf0: {  	v12 =	vld [tilespmem:s4+$0xFFFFFFF0];
	_ =	sdelay $0x4  }
0xf1: {  	[tilespmem:$0x7110] =	vst v12  }
0xf2: {  	v12 =	vld [tilespmem:s4+$0x0];
	_ =	sdelay $0x4  }
0xf3: {  	[tilespmem:$0x7120] =	vst v12  }
0xf4: {  	v12 =	vld [tilespmem:s4+$0x10];
	_ =	sdelay $0x3  }
.Ltmp14:
0xf5: {  	(pc) =	sbr.rel @p1 .LBB2_17-.Ltmp14, $4  }
0xf6: {  	[tilespmem:$0x7130] =	vst v12  }
0xf7: {  	[spmem:s3] =	stream.indirect.scatter.add.f32 [tilespmem:s10], [sflag:$0x3], $0x10, s1, s14, $0xb8;
	[tilespmem:$0x19300] =	vst v63  }
0xf8: {  	_ =	swait.ge [sflag:s23], $0x400  }
0xf9: {  	[sflag:s23] =	ssyncset.done $0x0  }
.LBB2_18:
0xfa: {  	[sflag:s23] =	ssyncadd.s32 $0xFFFFFC00  }
.LBB2_19:
0xfb: {  	[bflag:$0x0] =	sbarrier.arrive $0xFFFF  }
0xfc: {  	s4 =	simm.s32 $0x0;
	s7 =	simm.s32 $0xB180;
	s18 =	simm.s32 $0x0  }
.LBB2_20:
0xfd: {  	s5 =	sshll.u32 s18, $0xE;
	v12 =	vmov s4  }
0xfe: {  	s5 =	sand.u32 $0x3FFFC000, s5;
	v12 =	vshll.u32 v12, $0x7  }
0xff: {  	s5 =	sadd.s32 s5, s3;
	v12 =	vor.u32 v10, v12  }
0x100: {  	[tilespmem:s12], [sflag:$0x3] =	stream.linear.gather [spmem:s5], $0x4000, $0x38;
	[tilespmem:$0x19300] =	vst v63  }
0x101: {  	_ =	swait.ge [sflag:s23], $0x4000  }
0x102: {  	[sflag:s23] =	ssyncset.done $0x0  }
0x103: {  	[sflag:s23] =	ssyncadd.s32 $0xFFFFC000  }
0x104: {  	v12 =	vld.idx.msk [tilespmem:v12+s12+$0x0], $0xffff;
	_ =	sdelay $0x4  }
0x105: {  	v12 =	vmax.f32 v12, $1.000000000e+00  }
0x106: {  	(erf) = vrcp.f32 v12;
	_ =	sdelay $0x4  }
0x107: {  	s20 =	simm.s32 $0x10  }
0x108: {  	v12 =	vmov s20  }
0x109: {  	v12 =	vshll.u32 v12, $0x7  }
0x10a: {  	v12 =	vor.u32 v10, v12  }
0x10b: {  	v13 =	vpop (erf)  }
0x10c: {  	v13 =	vmul.f32 $1.428571490e-01, v13;
	_ =	sdelay $0x1  }
0x10d: {  	[tilespmem:s7+$0x0] =	vst v13  }
0x10e: {  	v12 =	vld.idx.msk [tilespmem:v12+s12+$0x0], $0xffff;
	_ =	sdelay $0x4  }
0x10f: {  	v12 =	vmax.f32 v12, $1.000000000e+00  }
0x110: {  	(erf) = vrcp.f32 v12;
	_ =	sdelay $0x4  }
0x111: {  	s24 =	simm.s32 $0x20  }
0x112: {  	s19 =	simm.s32 $0x30;
	s5 =	smov.u32 s7;
	v12 =	vmov s24  }
.LBB2_21:
0x113: {  	p1 =	sne.s32 s19, $0x70;
	v12 =	vshll.u32 v12, $0x7  }
0x114: {  	v12 =	vor.u32 v10, v12  }
0x115: {  	v13 =	vpop (erf)  }
0x116: {  	v13 =	vmul.f32 $1.428571490e-01, v13  }
0x117: {  	s5 =	sadd.s32 $0x10, s5  }
0x118: {  	[tilespmem:s5+$0x0] =	vst v13  }
0x119: {  	v12 =	vld.idx.msk [tilespmem:v12+s12+$0x0], $0xffff;
	_ =	sdelay $0x5  }
0x11a: {  	v12 =	vmax.f32 v12, $1.000000000e+00  }
0x11b: {  	(erf) = vrcp.f32 v12;
	_ =	sdelay $0x1  }
.Ltmp15:
0x11c: {  	(pc) =	sbr.rel @p1 .LBB2_21-.Ltmp15, $2  }
0x11d: {  	_ =	sdelay $0x2  }
0x11e: {  	v12 =	vmov s19;
	s19 =	sadd.s32 $0x10, s19  }
0x11f: {  	v12 =	vshll.u32 v12, $0x7  }
0x120: {  	v12 =	vor.u32 v10, v12  }
0x121: {  	v13 =	vpop (erf)  }
0x122: {  	v13 =	vmul.f32 $1.428571490e-01, v13  }
0x123: {  	s5 =	sadd.s32 $0x10, s5  }
0x124: {  	[tilespmem:s5+$0x0] =	vst v13  }
0x125: {  	v12 =	vld.idx.msk [tilespmem:v12+s12+$0x0], $0xffff;
	_ =	sdelay $0x4  }
0x126: {  	v12 =	vmax.f32 v12, $1.000000000e+00  }
0x127: {  	(erf) = vrcp.f32 v12;
	_ =	sdelay $0x5  }
0x128: {  	s18 =	sadd.s32 $0x1, s18  }
0x129: {  	p1 =	sne.s32 s18, $0x10  }
.Ltmp16:
0x12a: {  	_ = 	snop;
	(pc) =	sbr.rel @p1 .LBB2_20-.Ltmp16, $4  }
0x12b: {  	v12 =	vpop (erf)  }
0x12c: {  	v12 =	vmul.f32 $1.428571490e-01, v12  }
0x12d: {  	s5 =	sadd.s32 $0x10, s5  }
0x12e: {  	s7 =	sadd.s32 $0x80, s7;
	[tilespmem:s5+$0x0] =	vst v12  }
.Ltmp17:
0x12f: {  	[bflag:$0x0] =	sbarrier.arrive $0xFFFF;
	s4 =	simm.s32 $0xC280;
	(pc) =	sbr.rel @p0 .LBB2_30-.Ltmp17, $4  }
0x130: {  	[spmem:s11] =	stream.linear.scatter [tilespmem:s4], [sflag:$0x3], $0x4000, $0x38;
	[tilespmem:$0x19300] =	vst v63  }
0x131: {  	_ =	swait.ge [sflag:s23], $0x4000  }
0x132: {  	[sflag:s23] =	ssyncset.done $0x0  }
0x133: {  	[sflag:s23] =	ssyncadd.s32 $0xFFFFC000  }
0x134: {  	s4 =	smul.u32 $0x186A00, s25  }
0x135: {  	s5 =	rddreg [dreg:$0x5]  }
0x136: {  	s7 =	simm.s32 $0x0;
	s4 =	sadd.s32 s5, s4  }
.LBB2_25:
0x137: {  	s5 =	sshll.u32 s7, $0x8  }
0x138: {  	s5 =	sshra.s32 s5, $0x2  }
0x139: {  	v12 =	vld [tilespmem:s5+$0x3F80];
	_ =	sdelay $0x4  }
0x13a: {  	[tilespmem:$0x7100] =	vst v12  }
0x13b: {  	v12 =	vld [tilespmem:s5+$0x3F90];
	_ =	sdelay $0x4  }
0x13c: {  	[tilespmem:$0x7110] =	vst v12  }
0x13d: {  	v12 =	vld [tilespmem:s5+$0x3FA0];
	_ =	sdelay $0x4  }
0x13e: {  	[tilespmem:$0x7120] =	vst v12  }
0x13f: {  	v12 =	vld [tilespmem:s5+$0x3FB0];
	_ =	sdelay $0x4  }
0x140: {  	s5 =	sadd.s32 $0xE00, s5;
	[tilespmem:$0x7130] =	vst v12  }
0x141: {  	[tilespmem:s15], [sflag:$0x1] =	stream.indirect.gather [hbm4b:s4+s14], $0x80, s5, s14, $0xb8;
	[tilespmem:$0x19300] =	vst v63  }
0x142: {  	_ =	swait.ge [sflag:s30], $0x2000  }
0x143: {  	[sflag:s30] =	ssyncset.done $0x0  }
0x144: {  	s19 =	simm.s32 $0x71C0;
	s20 =	simm.s32 $0x0;
	[sflag:s30] =	ssyncadd.s32 $0xFFFFE000  }
.LBB2_26:
0x145: {  	s5 =	sshll.u32 s20, $0x4  }
0x146: {  	v12 =	vld [tilespmem:s5+$0x7100];
	_ =	sdelay $0x7  }
0x147: {  	v12 =	vld.idx.msk [tilespmem:v12+s16+$0x0], $0xffff;
	_ =	sdelay $0x2  }
0x148: {  	s24 =	simm.s32 $0x0  }
0x149: {  	v13 =	vmov s24  }
0x14a: {  	[tilespmem:$0xBA00] =	vst v12  }
0x14b: {  	v16 =	vld [tilespmem:s19+$0x30]  }
0x14c: {  	v19 =	vld [tilespmem:s19+$0x10]  }
0x14d: {  	v17 =	vld [tilespmem:s19+$0xFFFFFFC0]  }
0x14e: {  	v13 =	vld.idx.msk [tilespmem:v13+s17+$0x0], $0xffff  }
0x14f: {  	v21 =	vld [tilespmem:s19+$0xFFFFFFE0]  }
0x150: {  	v12 =	vld [tilespmem:s19+$0xFFFFFFF0]  }
0x151: {  	v14 =	vld [tilespmem:s19+$0x20]  }
0x152: {  	v15 =	vld [tilespmem:s19+$0xFFFFFFD0]  }
0x153: {  	v20 =	vmul.f32 v16, v13;
	v16 =	vld [tilespmem:s19+$0x0]  }
0x154: {  	v18 =	vmul.f32 v17, v13  }
0x155: {  	s18 =	smov.u32 s19;
	s24 =	simm.s32 $0x1;
	s5 =	smov.u32 s19;
	v17 =	vmul.f32 v21, v13;
	v19 =	vmul.f32 v19, v13  }
.LBB2_27:
0x156: {  	p0 =	sne.s32 s24, $0xF  }
0x157: {  	v15 =	vmul.f32 v15, v13;
	v14 =	vmul.f32 v14, v13;
	[tilespmem:s5+$0x30] =	vst v20;
	s18 =	sadd.s32 $0x80, s18;
	s6 =	smov.u32 s24;
	s24 =	sadd.s32 $0x1, s24  }
0x158: {  	[tilespmem:s5+$0xFFFFFFC0] =	vst v18;
	v18 =	vmul.f32 v12, v13;
	v13 =	vmul.f32 v16, v13  }
0x159: {  	[tilespmem:s5+$0x10] =	vst v19  }
0x15a: {  	v16 =	vmov s6;
	[tilespmem:s5+$0xFFFFFFE0] =	vst v17  }
0x15b: {  	v12 =	vld [tilespmem:s18+$0xFFFFFFF0];
	[tilespmem:s5+$0xFFFFFFF0] =	vst v18  }
0x15c: {  	v17 =	vld [tilespmem:s18+$0x30];
	[tilespmem:s5+$0x0] =	vst v13  }
0x15d: {  	v19 =	vld [tilespmem:s18+$0x10];
	[tilespmem:s5+$0x20] =	vst v14  }
0x15e: {  	v18 =	vld [tilespmem:s18+$0xFFFFFFC0];
	[tilespmem:s5+$0xFFFFFFD0] =	vst v15;
	s5 =	smov.u32 s18  }
0x15f: {  	v13 =	vld.idx.msk [tilespmem:v16+s17+$0x0], $0xffff  }
0x160: {  	v21 =	vld [tilespmem:s18+$0xFFFFFFE0]  }
0x161: {  	v14 =	vld [tilespmem:s18+$0x20]  }
.Ltmp18:
0x162: {  	v15 =	vld [tilespmem:s18+$0xFFFFFFD0];
	(pc) =	sbr.rel @p0 .LBB2_27-.Ltmp18, $3  }
0x163: {  	v16 =	vld [tilespmem:s18+$0x0];
	_ =	sdelay $0x1  }
0x164: {  	v18 =	vmul.f32 v18, v13;
	v20 =	vmul.f32 v17, v13  }
0x165: {  	v19 =	vmul.f32 v19, v13;
	v17 =	vmul.f32 v21, v13  }
0x166: {  	[tilespmem:s5+$0x30] =	vst v20  }
0x167: {  	[tilespmem:s5+$0xFFFFFFC0] =	vst v18;
	s20 =	sadd.s32 $0x1, s20  }
0x168: {  	v12 =	vmul.f32 v12, v13;
	[tilespmem:s5+$0x10] =	vst v19;
	p0 =	sne.s32 s20, $0x4  }
.Ltmp19:
0x169: {  	v14 =	vmul.f32 v14, v13;
	[tilespmem:s5+$0xFFFFFFE0] =	vst v17;
	(pc) =	sbr.rel @p0 .LBB2_26-.Ltmp19, $4  }
0x16a: {  	v63 =	vmul.f32 v15, v13;
	[tilespmem:s5+$0xFFFFFFF0] =	vst v12  }
0x16b: {  	v16 =	vmul.f32 v16, v13;
	[tilespmem:s5+$0x20] =	vst v14  }
0x16c: {  	[tilespmem:s5+$0xFFFFFFD0] =	vst v63  }
0x16d: {  	s19 =	sadd.s32 $0x800, s19;
	[tilespmem:s5+$0x0] =	vst v16  }
0x16e: {  	[spmem:s2] =	stream.indirect.scatter.add.f32 [tilespmem:s15], [sflag:$0x3], $0x80, s1, s14, $0xb8;
	[tilespmem:$0x19300] =	vst v63  }
0x16f: {  	s7 =	sadd.s32 $0x1, s7  }
0x170: {  	p0 =	sne.s32 s7, s21  }
.Ltmp20:
0x171: {  	_ = 	snop;
	(pc) =	sbr.rel @p0 .LBB2_25-.Ltmp20, $4  }
.Ltmp21:
0x172: {  	_ = 	snop;
	(pc) =	sbr.rel @!p0 .LBB2_30-.Ltmp21, $4  }
0x173: {  	_ =	swait.ge [sflag:s23], $0x2000  }
0x174: {  	[sflag:s23] =	ssyncset.done $0x0  }
0x175: {  	[sflag:s23] =	ssyncadd.s32 $0xFFFFE000  }
0x176: {  	_ = 	snop  }
.LBB2_31:
.Ltmp22:
0x177: {  	(pc) =	sbr.rel .LBB2_32-.Ltmp22, $4  }
0x178: {  	s4 =	rddreg [dreg:$0x14]  }
0x179: {  	[bflag:$0x0] =	sbarrier.arrive $0xFFFF;
	s7 =	simm.s32 $0x0;
	s6 =	simm.s32 $0x0  }
0x17a: {  	s18 =	stileid.u32;
	s4 =	sshll.u32 s4, $0x4;
	s5 =	rddreg [dreg:$0x1]  }
0x17b: {  	s19 =	simm.s32 $0x14300;
	s25 =	simm.s32 $0x4;
	s4 =	sadd.s32 s5, s4  }
.LBB2_36:
0x17c: {  	s7 =	sadd.s32 $0x1, s7  }
0x17d: {  	p0 =	sne.s32 s7, $0x8  }
.Ltmp23:
0x17e: {  	_ = 	snop;
	(pc) =	sbr.rel @!p0 .LBB2_37-.Ltmp23, $1  }
0x17f: {  	_ =	sdelay $0x3  }
.LBB2_32:
0x180: {  	s5 =	sshll.u32 s7, $0x4  }
0x181: {  	s20 =	sor.u32 s18, s5  }
0x182: {  	p0 =	sgt.u32 s20, $0x7C  }
.Ltmp24:
0x183: {  	_ = 	snop;
	(pc) =	sbr.rel @p0 .LBB2_36-.Ltmp24, $1  }
0x184: {  	_ =	sdelay $0x3  }
0x185: {  	s5 =	sshll.u32 s20, $0xB  }
0x186: {  	s5 =	sand.u32 $0x3FFFF800, s5  }
0x187: {  	s5 =	sadd.s32 s5, s2  }
0x188: {  	[tilespmem:s19], [sflag:$0x4] =	stream.linear.gather [spmem:s5], $0x800, $0x38;
	[tilespmem:$0x19300] =	vst v63  }
0x189: {  	_ =	swait.ge [sflag:s25], $0x800  }
0x18a: {  	[sflag:s25] =	ssyncset.done $0x0  }
0x18b: {  	s21 =	simm.s32 $0x0;
	[sflag:s25] =	ssyncadd.s32 $0xFFFFF800  }
0x18c: {  	s24 =	simm.s32 $0x200;
	v11 =	vld [tilespmem:s21+$0x14300]  }
.LBB2_34:
0x18d: {  	p0 =	sne.s32 s24, $0x1E00;
	v12 =	vld [tilespmem:$0x14280];
	_ =	sdelay $0x4  }
0x18e: {  	v11 =	vadd.f32 v12, v11;
	_ =	sdelay $0x1  }
0x18f: {  	[tilespmem:s21+$0x14300] =	vst v11;
	v11 =	vld [tilespmem:s21+$0x14310]  }
0x190: {  	v12 =	vld [tilespmem:$0x14290];
	_ =	sdelay $0x4  }
0x191: {  	v11 =	vadd.f32 v12, v11;
	_ =	sdelay $0x1  }
0x192: {  	[tilespmem:s21+$0x14310] =	vst v11;
	v11 =	vld [tilespmem:s21+$0x14320]  }
0x193: {  	v12 =	vld [tilespmem:$0x142A0];
	_ =	sdelay $0x4  }
0x194: {  	v11 =	vadd.f32 v12, v11;
	_ =	sdelay $0x1  }
0x195: {  	[tilespmem:s21+$0x14320] =	vst v11;
	v11 =	vld [tilespmem:s21+$0x14330]  }
0x196: {  	v12 =	vld [tilespmem:$0x142B0];
	_ =	sdelay $0x4  }
0x197: {  	v11 =	vadd.f32 v12, v11;
	_ =	sdelay $0x1  }
0x198: {  	[tilespmem:s21+$0x14330] =	vst v11;
	v11 =	vld [tilespmem:s21+$0x14340]  }
0x199: {  	v12 =	vld [tilespmem:$0x142C0];
	_ =	sdelay $0x4  }
0x19a: {  	v11 =	vadd.f32 v12, v11;
	_ =	sdelay $0x1  }
0x19b: {  	[tilespmem:s21+$0x14340] =	vst v11;
	v11 =	vld [tilespmem:s21+$0x14350]  }
0x19c: {  	v12 =	vld [tilespmem:$0x142D0];
	_ =	sdelay $0x4  }
0x19d: {  	v11 =	vadd.f32 v12, v11;
	_ =	sdelay $0x1  }
0x19e: {  	[tilespmem:s21+$0x14350] =	vst v11;
	v11 =	vld [tilespmem:s21+$0x14360]  }
0x19f: {  	v12 =	vld [tilespmem:$0x142E0];
	_ =	sdelay $0x4  }
0x1a0: {  	v11 =	vadd.f32 v12, v11;
	_ =	sdelay $0x1  }
0x1a1: {  	[tilespmem:s21+$0x14360] =	vst v11;
	v11 =	vld [tilespmem:s21+$0x14370]  }
0x1a2: {  	v12 =	vld [tilespmem:$0x142F0];
	_ =	sdelay $0x2  }
.Ltmp25:
0x1a3: {  	(pc) =	sbr.rel @p0 .LBB2_34-.Ltmp25, $4  }
0x1a4: {  	_ = 	snop  }
0x1a5: {  	v12 =	vadd.f32 v12, v11  }
0x1a6: {  	s5 =	sshra.s32 s24, $0x2  }
0x1a7: {  	s24 =	sadd.s32 $0x200, s24;
	v11 =	vld [tilespmem:s5+$0x14300];
	[tilespmem:s21+$0x14370] =	vst v12;
	s21 =	smov.u32 s5  }
0x1a8: {  	v12 =	vld [tilespmem:$0x14280];
	_ =	sdelay $0x4  }
0x1a9: {  	v11 =	vadd.f32 v12, v11;
	_ =	sdelay $0x1  }
0x1aa: {  	[tilespmem:s21+$0x14300] =	vst v11;
	v11 =	vld [tilespmem:s21+$0x14310]  }
0x1ab: {  	v57 =	vld [tilespmem:$0x14290];
	_ =	sdelay $0x4  }
0x1ac: {  	v11 =	vadd.f32 v57, v11;
	_ =	sdelay $0x1  }
0x1ad: {  	[tilespmem:s21+$0x14310] =	vst v11;
	v11 =	vld [tilespmem:s21+$0x14320]  }
0x1ae: {  	v58 =	vld [tilespmem:$0x142A0];
	_ =	sdelay $0x4  }
0x1af: {  	v11 =	vadd.f32 v58, v11;
	_ =	sdelay $0x1  }
0x1b0: {  	[tilespmem:s21+$0x14320] =	vst v11;
	v11 =	vld [tilespmem:s21+$0x14330]  }
0x1b1: {  	v59 =	vld [tilespmem:$0x142B0];
	_ =	sdelay $0x4  }
0x1b2: {  	v11 =	vadd.f32 v59, v11;
	_ =	sdelay $0x1  }
0x1b3: {  	[tilespmem:s21+$0x14330] =	vst v11;
	v11 =	vld [tilespmem:s21+$0x14340]  }
0x1b4: {  	v60 =	vld [tilespmem:$0x142C0];
	_ =	sdelay $0x4  }
0x1b5: {  	v11 =	vadd.f32 v60, v11;
	_ =	sdelay $0x1  }
0x1b6: {  	[tilespmem:s21+$0x14340] =	vst v11;
	v11 =	vld [tilespmem:s21+$0x14350]  }
0x1b7: {  	v61 =	vld [tilespmem:$0x142D0];
	_ =	sdelay $0x4  }
0x1b8: {  	v11 =	vadd.f32 v61, v11;
	_ =	sdelay $0x1  }
0x1b9: {  	[tilespmem:s21+$0x14350] =	vst v11;
	v11 =	vld [tilespmem:s21+$0x14360]  }
0x1ba: {  	v62 =	vld [tilespmem:$0x142E0];
	_ =	sdelay $0x4  }
0x1bb: {  	v11 =	vadd.f32 v62, v11;
	_ =	sdelay $0x1  }
0x1bc: {  	[tilespmem:s21+$0x14360] =	vst v11;
	v11 =	vld [tilespmem:s21+$0x14370]  }
0x1bd: {  	v63 =	vld [tilespmem:$0x142F0];
	_ =	sdelay $0x4  }
0x1be: {  	v11 =	vadd.f32 v63, v11  }
0x1bf: {  	s5 =	sshll.u32 s20, $0x8  }
.Ltmp26:
0x1c0: {  	s5 =	sadd.s32 s5, s4;
	[tilespmem:s21+$0x14370] =	vst v11;
	(pc) =	sbr.rel .LBB2_36-.Ltmp26, $4  }
0x1c1: {  	[hbm4b:s5+s6] =	stream.linear.scatter [tilespmem:s19], [sflag:$0x3], $0x800, $0x38;
	[tilespmem:$0x19300] =	vst v63  }
0x1c2: {  	_ =	swait.ge [sflag:s23], $0x800  }
0x1c3: {  	[sflag:s23] =	ssyncset.done $0x0  }
0x1c4: {  	[sflag:s23] =	ssyncadd.s32 $0xFFFFF800  }
.LBB2_39:
0x1c5: {  	_ =	sfence.sel $0x180000  }
0x1c6: {  	[bflag:$0x0] =	sbarrier.arrive $0xFFFF  }
0x1c7: {  	_ =	strace $0x90000047  }
0x1c8: {  	[bflag:$0x2] =	sbarrier.arrive $0xFFFF  }
0x1c9: {  	p0 =	sne.s32 s18, $0x0;
	s0 =	rddreg [dreg:$0x4]  }
0x1ca: {  	s0 =	sadd.s32 @!p0 $0x100000, s0  }
0x1cb: {  	[sflag:s0] =	ssyncadd.tile.s32 @!p0 $0x1;
	_ =	shalt  }
.Lfunc_end2:
_tile_overlayer_lowered:
.L_overlay_start_2:
0x1cc: {  	(tag) =	ssettag $0x2  }
0x1cd: {  	s0 =	rddreg [dreg:$0x0];
	s2 =	stileid.u32  }
0x1ce: {  	s1 =	rddreg [dreg:$0x1];
	p0 =	sne.s32 s2, $0x0  }
0x1cf: {  	s3 =	rddreg [dreg:$0x2];
	[bflag:$0x3] =	sbarrier.arrive $0xFFFF;
	s2 =	simm.s32 @!p0 $0x1C03  }
0x1d0: {  	[timem:s3], [sflag:s2] =	dma.local @!p0 [hbm:s0], s1  }
0x1d1: {  	s0 =	simm.s32 @!p0 $0x3  }
0x1d2: {  	_ =	swait.ge @!p0 [sflag:s0], s1  }
0x1d3: {  	s1 =	ssub.s32 @!p0 $0x0, s1;
	[sflag:s0] =	ssyncset.done @!p0 $0x0  }
0x1d4: {  	[sflag:s0] =	ssyncadd.s32 @!p0 s1  }
0x1d5: {  	[bflag:$0x3] =	sbarrier.arrive $0xFFFF  }
0x1d6: {  	_ =	shalt  }

</sc_bundles>
